<compile_context>
chip_gen: v7x
topology: tpu7x:2x2x1
jax: 0.10.2.dev20260603
libtpu: 0.0.44.dev20260713+nightly
codegen_flags: <defaults>
</compile_context>

<pallas_src>
import functools

import jax
import jax.numpy as jnp
from jax import lax
from jax.experimental import pallas as pl
from jax.experimental.pallas import tpu as pltpu
from jax.experimental.pallas import tpu_sc as plsc

NC = 2
NS = 16
NW = NC * NS
CHUNK = 80


def _pad_nodes(n):
    q = NS * 8
    return (n + q - 1) // q * q


def _sc_mesh():
    return plsc.VectorSubcoreMesh(core_axis_name="c", subcore_axis_name="s")


def _sc_degree(dst3, zeros16, n_pad):
    steps = dst3.shape[1]
    rpt = n_pad // NS

    @functools.partial(
        pl.kernel,
        out_type=jax.ShapeDtypeStruct((NC, n_pad, 16), jnp.float32),
        mesh=_sc_mesh(),
        scratch_types=[
            pltpu.VMEM((CHUNK,), jnp.int32),
            pltpu.VMEM((CHUNK,), jnp.int32),
            pltpu.VMEM((CHUNK, 16), jnp.float32),
            pltpu.VMEM_SHARED((n_pad, 16), jnp.float32),
            pltpu.SemaphoreType.DMA,
            pltpu.SemaphoreType.DMA,
        ],
    )
    def k(dst_hbm, z_hbm, out_hbm, idx_a, idx_b, ones_v, acc_sh,
          sem_ia, sem_ib):
        c = lax.axis_index("c")
        s = lax.axis_index("s")
        wid = s * NC + c
        pltpu.sync_copy(z_hbm.at[pl.ds(s * rpt, rpt)],
                        acc_sh.at[pl.ds(s * rpt, rpt)])

        @pl.loop(0, CHUNK)
        def _(r):
            ones_v[r, :] = jnp.ones((16,), jnp.float32)

        def ix_start(i, idx, sem):
            pltpu.make_async_copy(dst_hbm.at[wid, i], idx, sem).start()

        def ix_wait(i, idx, sem):
            pltpu.make_async_copy(dst_hbm.at[wid, i], idx, sem).wait()

        def s_add(idx):
            pltpu.sync_copy(ones_v, acc_sh.at[idx], add=True)

        pltpu.sync_copy(dst_hbm.at[wid, 0], idx_a)
        plsc.subcore_barrier()
        ix_start(1, idx_b, sem_ib)
        pairs = (steps - 1) // 2

        @pl.loop(0, pairs)
        def _(p):
            i = 2 * p
            s_add(idx_a)
            ix_wait(i + 1, idx_b, sem_ib)
            ix_start(i + 2, idx_a, sem_ia)
            s_add(idx_b)
            ix_wait(i + 2, idx_a, sem_ia)

            @pl.when(i + 3 < steps)
            def _():
                ix_start(i + 3, idx_b, sem_ib)

        s_add(idx_a)

        plsc.subcore_barrier()
        pltpu.sync_copy(acc_sh.at[pl.ds(s * rpt, rpt)],
                        out_hbm.at[c, pl.ds(s * rpt, rpt)])

    return k(dst3, zeros16)


def _sc_scatter(g, src3, dst3, zeros, n_pad):
    d = g.shape[1]
    steps = src3.shape[1]
    pairs = (steps - 1) // 2
    rpt = n_pad // NS

    @functools.partial(
        pl.kernel,
        out_type=jax.ShapeDtypeStruct((NC, n_pad, d), jnp.float32),
        mesh=_sc_mesh(),
        scratch_types=[
            pltpu.VMEM((CHUNK,), jnp.int32),
            pltpu.VMEM((CHUNK,), jnp.int32),
            pltpu.VMEM((CHUNK,), jnp.int32),
            pltpu.VMEM((CHUNK,), jnp.int32),
            pltpu.VMEM((CHUNK, d), jnp.float32),
            pltpu.VMEM((CHUNK, d), jnp.float32),
            pltpu.VMEM_SHARED((n_pad, d), jnp.float32),
            pltpu.SemaphoreType.DMA,
            pltpu.SemaphoreType.DMA,
            pltpu.SemaphoreType.DMA,
            pltpu.SemaphoreType.DMA,
        ],
    )
    def k(g_hbm, src_hbm, dst_hbm, z_hbm, out_hbm,
          sidx_a, didx_a, sidx_b, didx_b, rows_a, rows_b, acc_sh,
          sem_a, sem_b, sem_ia, sem_ib):
        c = lax.axis_index("c")
        s = lax.axis_index("s")
        wid = s * NC + c
        pltpu.sync_copy(z_hbm.at[pl.ds(s * rpt, rpt)],
                        acc_sh.at[pl.ds(s * rpt, rpt)])

        def ix_start(i, sidx, didx, sem):
            pltpu.make_async_copy(src_hbm.at[wid, i], sidx, sem).start()
            pltpu.make_async_copy(dst_hbm.at[wid, i], didx, sem).start()

        def ix_wait(i, sidx, didx, sem):
            pltpu.make_async_copy(src_hbm.at[wid, i], sidx, sem).wait()
            pltpu.make_async_copy(dst_hbm.at[wid, i], didx, sem).wait()

        def g_start(sidx, rows, sem):
            pltpu.make_async_copy(g_hbm.at[sidx], rows, sem).start()

        def g_wait(sidx, rows, sem):
            pltpu.make_async_copy(g_hbm.at[sidx], rows, sem).wait()

        def s_add(didx, rows):
            pltpu.sync_copy(rows, acc_sh.at[didx], add=True)

        pltpu.sync_copy(src_hbm.at[wid, 0], sidx_a)
        pltpu.sync_copy(dst_hbm.at[wid, 0], didx_a)
        plsc.subcore_barrier()
        g_start(sidx_a, rows_a, sem_a)
        ix_start(1, sidx_b, didx_b, sem_ib)

        @pl.loop(0, pairs)
        def _(p):
            i = 2 * p
            g_wait(sidx_a, rows_a, sem_a)
            ix_wait(i + 1, sidx_b, didx_b, sem_ib)
            g_start(sidx_b, rows_b, sem_b)
            s_add(didx_a, rows_a)
            ix_start(i + 2, sidx_a, didx_a, sem_ia)
            g_wait(sidx_b, rows_b, sem_b)
            ix_wait(i + 2, sidx_a, didx_a, sem_ia)
            g_start(sidx_a, rows_a, sem_a)
            s_add(didx_b, rows_b)

            @pl.when(i + 3 < steps)
            def _():
                ix_start(i + 3, sidx_b, didx_b, sem_ib)

        g_wait(sidx_a, rows_a, sem_a)
        s_add(didx_a, rows_a)

        plsc.subcore_barrier()
        pltpu.sync_copy(acc_sh.at[pl.ds(s * rpt, rpt)],
                        out_hbm.at[c, pl.ds(s * rpt, rpt)])

    return k(g, src3, dst3, zeros)


_ROWS = 1000


def _tc_prep(x, degp, n_nodes):
    d_in = x.shape[1]
    grid = n_nodes // _ROWS

    def body(x_ref, d0_ref, d1_ref, g1_ref, dv_ref):
        deg = 1.0 + d0_ref[0, :, 0:1] + d1_ref[0, :, 0:1]
        dinv = lax.rsqrt(deg)
        g1_ref[...] = x_ref[...] * dinv
        dv_ref[...] = jnp.broadcast_to(dinv, dv_ref.shape)

    return pl.pallas_call(
        body,
        grid=(grid,),
        in_specs=[
            pl.BlockSpec((_ROWS, d_in), lambda i: (i, 0)),
            pl.BlockSpec((1, _ROWS, 16), lambda i: (0, i, 0)),
            pl.BlockSpec((1, _ROWS, 16), lambda i: (1, i, 0)),
        ],
        out_specs=[
            pl.BlockSpec((_ROWS, d_in), lambda i: (i, 0)),
            pl.BlockSpec((_ROWS, 128), lambda i: (i, 0)),
        ],
        out_shape=[
            jax.ShapeDtypeStruct((n_nodes, d_in), jnp.float32),
            jax.ShapeDtypeStruct((n_nodes, 128), jnp.float32),
        ],
    )(x, degp, degp)


def _tc_mid(p1, g1, dv, w1, b1, w2, n_nodes):
    d_in = g1.shape[1]
    d_hid = w1.shape[1]
    d_out = w2.shape[1]
    grid = n_nodes // _ROWS

    def body(p0_ref, p1_ref, g1_ref, dv_ref, w1_ref, b1_ref, w2_ref, g2_ref):
        dinv = dv_ref[:, 0:1]
        s1 = dinv * (p0_ref[0] + p1_ref[0] + g1_ref[...])
        h1 = jnp.dot(s1, w1_ref[...], preferred_element_type=jnp.float32)
        h1 = jnp.maximum(h1 + b1_ref[...], 0.0)
        m2 = jnp.dot(h1, w2_ref[...], preferred_element_type=jnp.float32)
        g2_ref[...] = dinv * m2

    return pl.pallas_call(
        body,
        grid=(grid,),
        in_specs=[
            pl.BlockSpec((1, _ROWS, d_in), lambda i: (0, i, 0)),
            pl.BlockSpec((1, _ROWS, d_in), lambda i: (1, i, 0)),
            pl.BlockSpec((_ROWS, d_in), lambda i: (i, 0)),
            pl.BlockSpec((_ROWS, 128), lambda i: (i, 0)),
            pl.BlockSpec((d_in, d_hid), lambda i: (0, 0)),
            pl.BlockSpec((1, d_hid), lambda i: (0, 0)),
            pl.BlockSpec((d_hid, d_out), lambda i: (0, 0)),
        ],
        out_specs=pl.BlockSpec((_ROWS, d_out), lambda i: (i, 0)),
        out_shape=jax.ShapeDtypeStruct((n_nodes, d_out), jnp.float32),
    )(p1, p1, g1, dv, w1, b1, w2)


def _tc_final(p2, g2, dv, b2, n_nodes):
    d_out = g2.shape[1]
    grid = n_nodes // _ROWS

    def body(p0_ref, p1_ref, g2_ref, dv_ref, b2_ref, z_ref):
        dinv = dv_ref[:, 0:1]
        z_ref[...] = dinv * (p0_ref[0] + p1_ref[0] + g2_ref[...]) + b2_ref[...]

    return pl.pallas_call(
        body,
        grid=(grid,),
        in_specs=[
            pl.BlockSpec((1, _ROWS, d_out), lambda i: (0, i, 0)),
            pl.BlockSpec((1, _ROWS, d_out), lambda i: (1, i, 0)),
            pl.BlockSpec((_ROWS, d_out), lambda i: (i, 0)),
            pl.BlockSpec((_ROWS, 128), lambda i: (i, 0)),
            pl.BlockSpec((1, d_out), lambda i: (0, 0)),
        ],
        out_specs=pl.BlockSpec((_ROWS, d_out), lambda i: (i, 0)),
        out_shape=jax.ShapeDtypeStruct((n_nodes, d_out), jnp.float32),
    )(p2, p2, g2, dv, b2)


def kernel(x, edge_index, W1, b1, W2, b2):
    n = x.shape[0]
    n_pad = _pad_nodes(n)
    ei = edge_index.astype(jnp.int32)
    epw = ei.shape[1] // NW
    steps = -(-epw // CHUNK)
    if steps % 2 == 0:
        steps += 1
    pad = steps * CHUNK - epw
    src3 = jnp.pad(ei[0].reshape(NW, epw), ((0, 0), (0, pad)),
                   constant_values=0).reshape(NW, steps, CHUNK)
    dst3 = jnp.pad(ei[1].reshape(NW, epw), ((0, 0), (0, pad)),
                   constant_values=n).reshape(NW, steps, CHUNK)
    zeros16 = jnp.zeros((n_pad, 16), jnp.float32)
    zeros_d = jnp.zeros((n_pad, x.shape[1]), jnp.float32)

    degp = _sc_degree(dst3, zeros16, n_pad)
    g1, dv = _tc_prep(x, degp, n)
    p1 = _sc_scatter(g1, src3, dst3, zeros_d, n_pad)
    g2 = _tc_mid(p1, g1, dv, W1, b1.reshape(1, -1), W2, n)
    p2 = _sc_scatter(g2, src3, dst3, zeros_d, n_pad)
    z = _tc_final(p2, g2, dv, b2.reshape(1, -1), n)
    return z

# --- scband reference (transcript-rebuilt; emitter-appended) ---
"""Pipeline reference for scband-gae-86998857548328 (READ-ONLY COPY).

The authoritative reference and input builder live on the scoring server;
editing this copy changes nothing except your own understanding.
"""

import jax, jax.numpy as jnp
import numpy as np

N_NODES = 10000
N_EDGES = 320000
D_IN = 128
D_HID2 = 256  # nhid * 2
D_OUT = 128   # nhid


def setup_inputs(seed: int = 0) -> dict:
    key = jax.random.key(seed)
    k1, k2, k3, k4, k5, k6 = jax.random.split(key, 6)
    x = jax.random.normal(k1, (N_NODES, D_IN), dtype=jnp.float32)
    edge_index = jax.random.randint(k2, (2, N_EDGES), 0, N_NODES, dtype=jnp.int64)
    # GCN layer 1: nfeat -> nhid*2 ; GCN layer 2: nhid*2 -> nhid
    s1 = 1.0 / np.sqrt(D_IN)
    s2 = 1.0 / np.sqrt(D_HID2)
    W1 = jax.random.uniform(k3, (D_IN, D_HID2), minval=-s1, maxval=s1, dtype=jnp.float32)
    b1 = jnp.zeros((D_HID2,), dtype=jnp.float32)
    W2 = jax.random.uniform(k4, (D_HID2, D_OUT), minval=-s2, maxval=s2, dtype=jnp.float32)
    b2 = jnp.zeros((D_OUT,), dtype=jnp.float32)
    return {"x": x, "edge_index": edge_index, "W1": W1, "b1": b1, "W2": W2, "b2": b2}


def _gcn_conv(x, src, dst, W, b, n_nodes):
    # symmetric normalization with self-loops (PyG GCNConv default)
    loop = jnp.arange(n_nodes, dtype=src.dtype)
    src_f = jnp.concatenate([src, loop])
    dst_f = jnp.concatenate([dst, loop])
    deg = jnp.zeros((n_nodes,), dtype=x.dtype).at[dst_f].add(1.0)
    dinv = jnp.where(deg > 0, deg ** -0.5, 0.0)
    norm = dinv[src_f] * dinv[dst_f]
    h = x @ W
    msg = h[src_f] * norm[:, None]
    out = jnp.zeros((n_nodes, h.shape[1]), dtype=x.dtype).at[dst_f].add(msg)
    return out + b


def reference(x, edge_index, W1, b1, W2, b2):
    # GAE.forward -> gae.encode(x, edge_index) -> 2-layer GCN encoder (eval mode, dropout off, bn=False)
    n_nodes = x.shape[0]
    src, dst = edge_index[0], edge_index[1]
    h = _gcn_conv(x, src, dst, W1, b1, n_nodes)
    h = jax.nn.relu(h)
    z = _gcn_conv(h, src, dst, W2, b2, n_nodes)
    return z

if __name__ == "__main__":
    import jax
    _d = setup_inputs()
    print(jax.jit(kernel)(*tuple(_d.values())))

</pallas_src>

<mosaic_0001>
#map = affine_map<(d0, d1) -> (0, 0, 0)>
#map1 = affine_map<(d0, d1) -> (0, 0)>
module attributes {stable_mosaic.version = 14 : i64} {
  func.func @k(%arg0: i32, %arg1: i32, %arg2: memref<32x125x80xi32, #tpu.memory_space<hbm>>, %arg3: memref<10112x16xf32, #tpu.memory_space<hbm>>, %arg4: memref<2x10112x16xf32, #tpu.memory_space<hbm>>, %arg5: memref<80xi32, #tpu.memory_space<vmem>>, %arg6: memref<80xi32, #tpu.memory_space<vmem>>, %arg7: memref<80x16xf32, #tpu.memory_space<vmem>>, %arg8: memref<10112x16xf32, #tpu.memory_space<vmem_shared>>, %arg9: memref<!tpu.dma_semaphore, #tpu.memory_space<semaphore_mem>>, %arg10: memref<!tpu.dma_semaphore, #tpu.memory_space<semaphore_mem>>) attributes {dimension_semantics = [#tpu.dimension_semantics<core_parallel>, #tpu.dimension_semantics<subcore_parallel>], iteration_bounds = array<i64: 2, 16>, scalar_prefetch = 0 : i64, scratch_operands = 6 : i64, tpu.core_type = #tpu.core_type<sc_vector_subcore>, window_params = [{transform_indices = #map}, {transform_indices = #map1}, {transform_indices = #map}]} {
    %mul3A = arith.constant 2 : i32
    %mul3A_0 = arith.muli %arg1, %mul3A : i32
    %add3A = arith.addi %mul3A_0, %arg0 : i32
    %mul3A_1 = arith.constant 632 : i32
    %mul3A_2 = arith.muli %arg1, %mul3A_1 : i32
    %mul3A_3 = arith.constant 632 : i32
    %mul3A_4 = arith.muli %arg1, %mul3A_3 : i32
    "tpu.region"() ({
      %run_scoped3A_25 = tpu.sem_alloc : memref<!tpu.dma_semaphore, #tpu.memory_space<semaphore_mem>>
      %dma_start3A_26 = arith.constant 0 : i32
      %dma_start3A_27 = tpu.memref_slice %arg8[%mul3A_4, %dma_start3A_26] : memref<10112x16xf32, #tpu.memory_space<vmem_shared>> -> memref<632x16xf32, #tpu.memory_space<vmem_shared>>
      %dma_start3A_28 = arith.constant 0 : i32
      %dma_start3A_29 = tpu.memref_slice %arg3[%mul3A_2, %dma_start3A_28] : memref<10112x16xf32, #tpu.memory_space<hbm>> -> memref<632x16xf32, #tpu.memory_space<hbm>>
      tpu.enqueue_dma source(%dma_start3A_29 : memref<632x16xf32, #tpu.memory_space<hbm>>) target(%dma_start3A_27 : memref<632x16xf32, #tpu.memory_space<vmem_shared>>) target_semaphore(%run_scoped3A_25 : memref<!tpu.dma_semaphore, #tpu.memory_space<semaphore_mem>>)
      %dma_wait3A = arith.constant 0 : i32
      %dma_wait3A_30 = tpu.memref_slice %arg8[%mul3A_4, %dma_wait3A] : memref<10112x16xf32, #tpu.memory_space<vmem_shared>> -> memref<632x16xf32, #tpu.memory_space<vmem_shared>>
      %dma_wait3A_31 = arith.constant 0 : i32
      %dma_wait3A_32 = tpu.memref_slice %arg3[%mul3A_2, %dma_wait3A_31] : memref<10112x16xf32, #tpu.memory_space<hbm>> -> memref<632x16xf32, #tpu.memory_space<hbm>>
      tpu.wait_dma2 semaphore(%run_scoped3A_25 : memref<!tpu.dma_semaphore, #tpu.memory_space<semaphore_mem>>) src(%dma_wait3A_32 : memref<632x16xf32, #tpu.memory_space<hbm>>) dst(%dma_wait3A_30 : memref<632x16xf32, #tpu.memory_space<vmem_shared>>)
      tpu.yield
    }) : () -> ()
    %scan3A = arith.constant 0 : i32
    %scan3A_5 = arith.constant 80 : i32
    %scan3A_6 = arith.addi %scan3A, %scan3A_5 : i32
    %scan3A_7 = arith.constant 1 : i32
    scf.for %scan3A_25 = %scan3A to %scan3A_6 step %scan3A_7  : i32 {
      %mul3A_26 = arith.constant 1 : i32
      %mul3A_27 = arith.muli %scan3A_25, %mul3A_26 : i32
      %add3A_28 = arith.constant 0 : i32
      %add3A_29 = arith.addi %add3A_28, %mul3A_27 : i32
      %broadcast_in_dim3A = arith.constant 1.000000e+00 : f32
      %broadcast_in_dim3A_30 = vector.broadcast %broadcast_in_dim3A : f32 to vector<16xf32>
      %swap3A = arith.index_cast %add3A_29 : i32 to index
      %swap3A_31 = arith.constant 0 : index
      %swap3A_32 = tpu.vector_load %arg7[%swap3A, %swap3A_31] {strides = array<i32>} : memref<80x16xf32, #tpu.memory_space<vmem>>, vector<1x16xf32>,
      %swap3A_33 = vector.shape_cast %swap3A_32 : vector<1x16xf32> to vector<16xf32>
      %swap3A_34 = vector.shape_cast %broadcast_in_dim3A_30 : vector<16xf32> to vector<1x16xf32>
      tpu.vector_store %arg7[%swap3A, %swap3A_31], %swap3A_34 {strides = array<i32>} : memref<80x16xf32, #tpu.memory_space<vmem>>, vector<1x16xf32>,
    }
    %scan3A_8 = arith.constant 80 : i32
    %run_scoped3A = arith.constant 0 : i32
    "tpu.region"() ({
      %run_scoped3A_25 = tpu.sem_alloc : memref<!tpu.dma_semaphore, #tpu.memory_space<semaphore_mem>>
      %dma_start3A_26 = arith.constant 0 : i32
      %dma_start3A_27 = tpu.memref_slice %arg2[%add3A, %run_scoped3A, %dma_start3A_26] : memref<32x125x80xi32, #tpu.memory_space<hbm>> -> memref<1x1x80xi32, #tpu.memory_space<hbm>>
      %dma_start3A_28 = tpu.memref_squeeze %dma_start3A_27 : memref<1x1x80xi32, #tpu.memory_space<hbm>> -> memref<80xi32, #tpu.memory_space<hbm>>
      %dma_start3A_29 = arith.constant 0 : i32
      %dma_start3A_30 = tpu.memref_slice %arg2[%add3A, %run_scoped3A, %dma_start3A_29] : memref<32x125x80xi32, #tpu.memory_space<hbm>> -> memref<1x1x80xi32, #tpu.memory_space<hbm>>
      %dma_start3A_31 = tpu.memref_squeeze %dma_start3A_30 : memref<1x1x80xi32, #tpu.memory_space<hbm>> -> memref<80xi32, #tpu.memory_space<hbm>>
      tpu.enqueue_dma source(%dma_start3A_31 : memref<80xi32, #tpu.memory_space<hbm>>) target(%arg5 : memref<80xi32, #tpu.memory_space<vmem>>) target_semaphore(%run_scoped3A_25 : memref<!tpu.dma_semaphore, #tpu.memory_space<semaphore_mem>>)
      %dma_wait3A = arith.constant 0 : i32
      %dma_wait3A_32 = tpu.memref_slice %arg2[%add3A, %run_scoped3A, %dma_wait3A] : memref<32x125x80xi32, #tpu.memory_space<hbm>> -> memref<1x1x80xi32, #tpu.memory_space<hbm>>
      %dma_wait3A_33 = tpu.memref_squeeze %dma_wait3A_32 : memref<1x1x80xi32, #tpu.memory_space<hbm>> -> memref<80xi32, #tpu.memory_space<hbm>>
      %dma_wait3A_34 = arith.constant 0 : i32
      %dma_wait3A_35 = tpu.memref_slice %arg2[%add3A, %run_scoped3A, %dma_wait3A_34] : memref<32x125x80xi32, #tpu.memory_space<hbm>> -> memref<1x1x80xi32, #tpu.memory_space<hbm>>
      %dma_wait3A_36 = tpu.memref_squeeze %dma_wait3A_35 : memref<1x1x80xi32, #tpu.memory_space<hbm>> -> memref<80xi32, #tpu.memory_space<hbm>>
      tpu.wait_dma2 semaphore(%run_scoped3A_25 : memref<!tpu.dma_semaphore, #tpu.memory_space<semaphore_mem>>) src(%dma_wait3A_36 : memref<80xi32, #tpu.memory_space<hbm>>) dst(%arg5 : memref<80xi32, #tpu.memory_space<vmem>>)
      tpu.yield
    }) : () -> ()
    %barrier3A = arith.constant 0 : index
    tpu.barrier barrier_id(%barrier3A)
    %dma_start3A = arith.constant 1 : i32
    %dma_start3A_9 = arith.constant 0 : i32
    %dma_start3A_10 = tpu.memref_slice %arg2[%add3A, %dma_start3A, %dma_start3A_9] : memref<32x125x80xi32, #tpu.memory_space<hbm>> -> memref<1x1x80xi32, #tpu.memory_space<hbm>>
    %dma_start3A_11 = tpu.memref_squeeze %dma_start3A_10 : memref<1x1x80xi32, #tpu.memory_space<hbm>> -> memref<80xi32, #tpu.memory_space<hbm>>
    %dma_start3A_12 = arith.constant 0 : i32
    %dma_start3A_13 = tpu.memref_slice %arg2[%add3A, %dma_start3A, %dma_start3A_12] : memref<32x125x80xi32, #tpu.memory_space<hbm>> -> memref<1x1x80xi32, #tpu.memory_space<hbm>>
    %dma_start3A_14 = tpu.memref_squeeze %dma_start3A_13 : memref<1x1x80xi32, #tpu.memory_space<hbm>> -> memref<80xi32, #tpu.memory_space<hbm>>
    tpu.enqueue_dma source(%dma_start3A_14 : memref<80xi32, #tpu.memory_space<hbm>>) target(%arg6 : memref<80xi32, #tpu.memory_space<vmem>>) target_semaphore(%arg10 : memref<!tpu.dma_semaphore, #tpu.memory_space<semaphore_mem>>)
    %scan3A_15 = arith.constant 0 : i32
    %scan3A_16 = arith.constant 62 : i32
    %scan3A_17 = arith.addi %scan3A_15, %scan3A_16 : i32
    %scan3A_18 = arith.constant 1 : i32
    scf.for %scan3A_25 = %scan3A_15 to %scan3A_17 step %scan3A_18  : i32 {
      %mul3A_26 = arith.constant 1 : i32
      %mul3A_27 = arith.muli %scan3A_25, %mul3A_26 : i32
      %add3A_28 = arith.constant 0 : i32
      %add3A_29 = arith.addi %add3A_28, %mul3A_27 : i32
      %mul3A_30 = arith.constant 2 : i32
      %mul3A_31 = arith.muli %mul3A_30, %add3A_29 : i32
      "tpu.region"() ({
        %run_scoped3A_59 = tpu.sem_alloc : memref<!tpu.dma_semaphore, #tpu.memory_space<semaphore_mem>>
        %dma_start3A_60 = arith.constant 0 : i32
        %dma_start3A_61 = arith.constant 0 : i32
        %dma_start3A_62 = tpu.memref_slice %arg8[%dma_start3A_60, %dma_start3A_61] : memref<10112x16xf32, #tpu.memory_space<vmem_shared>> -> memref<10112x16xf32, #tpu.memory_space<vmem_shared>>
        tpu.enqueue_indirect_dma source(%arg7 : memref<80x16xf32, #tpu.memory_space<vmem>>) target(%dma_start3A_62 : memref<10112x16xf32, #tpu.memory_space<vmem_shared>>) offsets(%arg5 : memref<80xi32, #tpu.memory_space<vmem>>) semaphore(%run_scoped3A_59 : memref<!tpu.dma_semaphore, #tpu.memory_space<semaphore_mem>>) {add = true}
        %dma_wait3A_63 = arith.constant 0 : i32
        %dma_wait3A_64 = arith.constant 0 : i32
        %dma_wait3A_65 = tpu.memref_slice %arg8[%dma_wait3A_63, %dma_wait3A_64] : memref<10112x16xf32, #tpu.memory_space<vmem_shared>> -> memref<10112x16xf32, #tpu.memory_space<vmem_shared>>
        tpu.wait_indirect_dma semaphore(%run_scoped3A_59 : memref<!tpu.dma_semaphore, #tpu.memory_space<semaphore_mem>>) src(%arg7 : memref<80x16xf32, #tpu.memory_space<vmem>>) dst(%dma_wait3A_65 : memref<10112x16xf32, #tpu.memory_space<vmem_shared>>)
        tpu.yield
      }) : () -> ()
      %add3A_32 = arith.constant 1 : i32
      %add3A_33 = arith.addi %mul3A_31, %add3A_32 : i32
      %dma_wait3A = arith.constant 0 : i32
      %dma_wait3A_34 = tpu.memref_slice %arg2[%add3A, %add3A_33, %dma_wait3A] : memref<32x125x80xi32, #tpu.memory_space<hbm>> -> memref<1x1x80xi32, #tpu.memory_space<hbm>>
      %dma_wait3A_35 = tpu.memref_squeeze %dma_wait3A_34 : memref<1x1x80xi32, #tpu.memory_space<hbm>> -> memref<80xi32, #tpu.memory_space<hbm>>
      %dma_wait3A_36 = arith.constant 0 : i32
      %dma_wait3A_37 = tpu.memref_slice %arg2[%add3A, %add3A_33, %dma_wait3A_36] : memref<32x125x80xi32, #tpu.memory_space<hbm>> -> memref<1x1x80xi32, #tpu.memory_space<hbm>>
      %dma_wait3A_38 = tpu.memref_squeeze %dma_wait3A_37 : memref<1x1x80xi32, #tpu.memory_space<hbm>> -> memref<80xi32, #tpu.memory_space<hbm>>
      tpu.wait_dma2 semaphore(%arg10 : memref<!tpu.dma_semaphore, #tpu.memory_space<semaphore_mem>>) src(%dma_wait3A_38 : memref<80xi32, #tpu.memory_space<hbm>>) dst(%arg6 : memref<80xi32, #tpu.memory_space<vmem>>)
      %add3A_39 = arith.constant 2 : i32
      %add3A_40 = arith.addi %mul3A_31, %add3A_39 : i32
      %dma_start3A_41 = arith.constant 0 : i32
      %dma_start3A_42 = tpu.memref_slice %arg2[%add3A, %add3A_40, %dma_start3A_41] : memref<32x125x80xi32, #tpu.memory_space<hbm>> -> memref<1x1x80xi32, #tpu.memory_space<hbm>>
      %dma_start3A_43 = tpu.memref_squeeze %dma_start3A_42 : memref<1x1x80xi32, #tpu.memory_space<hbm>> -> memref<80xi32, #tpu.memory_space<hbm>>
      %dma_start3A_44 = arith.constant 0 : i32
      %dma_start3A_45 = tpu.memref_slice %arg2[%add3A, %add3A_40, %dma_start3A_44] : memref<32x125x80xi32, #tpu.memory_space<hbm>> -> memref<1x1x80xi32, #tpu.memory_space<hbm>>
      %dma_start3A_46 = tpu.memref_squeeze %dma_start3A_45 : memref<1x1x80xi32, #tpu.memory_space<hbm>> -> memref<80xi32, #tpu.memory_space<hbm>>
      tpu.enqueue_dma source(%dma_start3A_46 : memref<80xi32, #tpu.memory_space<hbm>>) target(%arg5 : memref<80xi32, #tpu.memory_space<vmem>>) target_semaphore(%arg9 : memref<!tpu.dma_semaphore, #tpu.memory_space<semaphore_mem>>)
      "tpu.region"() ({
        %run_scoped3A_59 = tpu.sem_alloc : memref<!tpu.dma_semaphore, #tpu.memory_space<semaphore_mem>>
        %dma_start3A_60 = arith.constant 0 : i32
        %dma_start3A_61 = arith.constant 0 : i32
        %dma_start3A_62 = tpu.memref_slice %arg8[%dma_start3A_60, %dma_start3A_61] : memref<10112x16xf32, #tpu.memory_space<vmem_shared>> -> memref<10112x16xf32, #tpu.memory_space<vmem_shared>>
        tpu.enqueue_indirect_dma source(%arg7 : memref<80x16xf32, #tpu.memory_space<vmem>>) target(%dma_start3A_62 : memref<10112x16xf32, #tpu.memory_space<vmem_shared>>) offsets(%arg6 : memref<80xi32, #tpu.memory_space<vmem>>) semaphore(%run_scoped3A_59 : memref<!tpu.dma_semaphore, #tpu.memory_space<semaphore_mem>>) {add = true}
        %dma_wait3A_63 = arith.constant 0 : i32
        %dma_wait3A_64 = arith.constant 0 : i32
        %dma_wait3A_65 = tpu.memref_slice %arg8[%dma_wait3A_63, %dma_wait3A_64] : memref<10112x16xf32, #tpu.memory_space<vmem_shared>> -> memref<10112x16xf32, #tpu.memory_space<vmem_shared>>
        tpu.wait_indirect_dma semaphore(%run_scoped3A_59 : memref<!tpu.dma_semaphore, #tpu.memory_space<semaphore_mem>>) src(%arg7 : memref<80x16xf32, #tpu.memory_space<vmem>>) dst(%dma_wait3A_65 : memref<10112x16xf32, #tpu.memory_space<vmem_shared>>)
        tpu.yield
      }) : () -> ()
      %add3A_47 = arith.constant 2 : i32
      %add3A_48 = arith.addi %mul3A_31, %add3A_47 : i32
      %dma_wait3A_49 = arith.constant 0 : i32
      %dma_wait3A_50 = tpu.memref_slice %arg2[%add3A, %add3A_48, %dma_wait3A_49] : memref<32x125x80xi32, #tpu.memory_space<hbm>> -> memref<1x1x80xi32, #tpu.memory_space<hbm>>
      %dma_wait3A_51 = tpu.memref_squeeze %dma_wait3A_50 : memref<1x1x80xi32, #tpu.memory_space<hbm>> -> memref<80xi32, #tpu.memory_space<hbm>>
      %dma_wait3A_52 = arith.constant 0 : i32
      %dma_wait3A_53 = tpu.memref_slice %arg2[%add3A, %add3A_48, %dma_wait3A_52] : memref<32x125x80xi32, #tpu.memory_space<hbm>> -> memref<1x1x80xi32, #tpu.memory_space<hbm>>
      %dma_wait3A_54 = tpu.memref_squeeze %dma_wait3A_53 : memref<1x1x80xi32, #tpu.memory_space<hbm>> -> memref<80xi32, #tpu.memory_space<hbm>>
      tpu.wait_dma2 semaphore(%arg9 : memref<!tpu.dma_semaphore, #tpu.memory_space<semaphore_mem>>) src(%dma_wait3A_54 : memref<80xi32, #tpu.memory_space<hbm>>) dst(%arg5 : memref<80xi32, #tpu.memory_space<vmem>>)
      %add3A_55 = arith.constant 3 : i32
      %add3A_56 = arith.addi %mul3A_31, %add3A_55 : i32
      %lt3A = arith.constant 125 : i32
      %lt3A_57 = arith.cmpi slt, %add3A_56, %lt3A : i32
      %convert_element_type3A = arith.extui %lt3A_57 : i1 to i32
      %cond3A = arith.constant 0 : i32
      %cond3A_58 = arith.cmpi ne, %convert_element_type3A, %cond3A : i32
      scf.if %cond3A_58 {
        %add3A_59 = arith.constant 3 : i32
        %add3A_60 = arith.addi %mul3A_31, %add3A_59 : i32
        %dma_start3A_61 = arith.constant 0 : i32
        %dma_start3A_62 = tpu.memref_slice %arg2[%add3A, %add3A_60, %dma_start3A_61] : memref<32x125x80xi32, #tpu.memory_space<hbm>> -> memref<1x1x80xi32, #tpu.memory_space<hbm>>
        %dma_start3A_63 = tpu.memref_squeeze %dma_start3A_62 : memref<1x1x80xi32, #tpu.memory_space<hbm>> -> memref<80xi32, #tpu.memory_space<hbm>>
        %dma_start3A_64 = arith.constant 0 : i32
        %dma_start3A_65 = tpu.memref_slice %arg2[%add3A, %add3A_60, %dma_start3A_64] : memref<32x125x80xi32, #tpu.memory_space<hbm>> -> memref<1x1x80xi32, #tpu.memory_space<hbm>>
        %dma_start3A_66 = tpu.memref_squeeze %dma_start3A_65 : memref<1x1x80xi32, #tpu.memory_space<hbm>> -> memref<80xi32, #tpu.memory_space<hbm>>
        tpu.enqueue_dma source(%dma_start3A_66 : memref<80xi32, #tpu.memory_space<hbm>>) target(%arg6 : memref<80xi32, #tpu.memory_space<vmem>>) target_semaphore(%arg10 : memref<!tpu.dma_semaphore, #tpu.memory_space<semaphore_mem>>)
      } else {
      }
    }
    %scan3A_19 = arith.constant 62 : i32
    "tpu.region"() ({
      %run_scoped3A_25 = tpu.sem_alloc : memref<!tpu.dma_semaphore, #tpu.memory_space<semaphore_mem>>
      %dma_start3A_26 = arith.constant 0 : i32
      %dma_start3A_27 = arith.constant 0 : i32
      %dma_start3A_28 = tpu.memref_slice %arg8[%dma_start3A_26, %dma_start3A_27] : memref<10112x16xf32, #tpu.memory_space<vmem_shared>> -> memref<10112x16xf32, #tpu.memory_space<vmem_shared>>
      tpu.enqueue_indirect_dma source(%arg7 : memref<80x16xf32, #tpu.memory_space<vmem>>) target(%dma_start3A_28 : memref<10112x16xf32, #tpu.memory_space<vmem_shared>>) offsets(%arg5 : memref<80xi32, #tpu.memory_space<vmem>>) semaphore(%run_scoped3A_25 : memref<!tpu.dma_semaphore, #tpu.memory_space<semaphore_mem>>) {add = true}
      %dma_wait3A = arith.constant 0 : i32
      %dma_wait3A_29 = arith.constant 0 : i32
      %dma_wait3A_30 = tpu.memref_slice %arg8[%dma_wait3A, %dma_wait3A_29] : memref<10112x16xf32, #tpu.memory_space<vmem_shared>> -> memref<10112x16xf32, #tpu.memory_space<vmem_shared>>
      tpu.wait_indirect_dma semaphore(%run_scoped3A_25 : memref<!tpu.dma_semaphore, #tpu.memory_space<semaphore_mem>>) src(%arg7 : memref<80x16xf32, #tpu.memory_space<vmem>>) dst(%dma_wait3A_30 : memref<10112x16xf32, #tpu.memory_space<vmem_shared>>)
      tpu.yield
    }) : () -> ()
    %barrier3A_20 = arith.constant 0 : index
    tpu.barrier barrier_id(%barrier3A_20)
    %mul3A_21 = arith.constant 632 : i32
    %mul3A_22 = arith.muli %arg1, %mul3A_21 : i32
    %mul3A_23 = arith.constant 632 : i32
    %mul3A_24 = arith.muli %arg1, %mul3A_23 : i32
    "tpu.region"() ({
      %run_scoped3A_25 = tpu.sem_alloc : memref<!tpu.dma_semaphore, #tpu.memory_space<semaphore_mem>>
      %dma_start3A_26 = arith.constant 0 : i32
      %dma_start3A_27 = tpu.memref_slice %arg4[%arg0, %mul3A_24, %dma_start3A_26] : memref<2x10112x16xf32, #tpu.memory_space<hbm>> -> memref<1x632x16xf32, #tpu.memory_space<hbm>>
      %dma_start3A_28 = tpu.memref_squeeze %dma_start3A_27 : memref<1x632x16xf32, #tpu.memory_space<hbm>> -> memref<632x16xf32, #tpu.memory_space<hbm>>
      %dma_start3A_29 = arith.constant 0 : i32
      %dma_start3A_30 = tpu.memref_slice %arg8[%mul3A_22, %dma_start3A_29] : memref<10112x16xf32, #tpu.memory_space<vmem_shared>> -> memref<632x16xf32, #tpu.memory_space<vmem_shared>>
      tpu.enqueue_dma source(%dma_start3A_30 : memref<632x16xf32, #tpu.memory_space<vmem_shared>>) target(%dma_start3A_28 : memref<632x16xf32, #tpu.memory_space<hbm>>) target_semaphore(%run_scoped3A_25 : memref<!tpu.dma_semaphore, #tpu.memory_space<semaphore_mem>>)
      %dma_wait3A = arith.constant 0 : i32
      %dma_wait3A_31 = tpu.memref_slice %arg4[%arg0, %mul3A_24, %dma_wait3A] : memref<2x10112x16xf32, #tpu.memory_space<hbm>> -> memref<1x632x16xf32, #tpu.memory_space<hbm>>
      %dma_wait3A_32 = tpu.memref_squeeze %dma_wait3A_31 : memref<1x632x16xf32, #tpu.memory_space<hbm>> -> memref<632x16xf32, #tpu.memory_space<hbm>>
      %dma_wait3A_33 = arith.constant 0 : i32
      %dma_wait3A_34 = tpu.memref_slice %arg8[%mul3A_22, %dma_wait3A_33] : memref<10112x16xf32, #tpu.memory_space<vmem_shared>> -> memref<632x16xf32, #tpu.memory_space<vmem_shared>>
      tpu.wait_dma2 semaphore(%run_scoped3A_25 : memref<!tpu.dma_semaphore, #tpu.memory_space<semaphore_mem>>) src(%dma_wait3A_34 : memref<632x16xf32, #tpu.memory_space<vmem_shared>>) dst(%dma_wait3A_32 : memref<632x16xf32, #tpu.memory_space<hbm>>)
      tpu.yield
    }) : () -> ()
    return
  }
}

#map = affine_map<(d0, d1) -> (0, 0)>
#map1 = affine_map<(d0, d1) -> (0, 0, 0)>
module attributes {stable_mosaic.version = 14 : i64} {
  func.func @k(%arg0: i32, %arg1: i32, %arg2: memref<10000x128xf32, #tpu.memory_space<hbm>>, %arg3: memref<32x125x80xi32, #tpu.memory_space<hbm>>, %arg4: memref<32x125x80xi32, #tpu.memory_space<hbm>>, %arg5: memref<10112x128xf32, #tpu.memory_space<hbm>>, %arg6: memref<2x10112x128xf32, #tpu.memory_space<hbm>>, %arg7: memref<80xi32, #tpu.memory_space<vmem>>, %arg8: memref<80xi32, #tpu.memory_space<vmem>>, %arg9: memref<80xi32, #tpu.memory_space<vmem>>, %arg10: memref<80xi32, #tpu.memory_space<vmem>>, %arg11: memref<80x128xf32, #tpu.memory_space<vmem>>, %arg12: memref<80x128xf32, #tpu.memory_space<vmem>>, %arg13: memref<10112x128xf32, #tpu.memory_space<vmem_shared>>, %arg14: memref<!tpu.dma_semaphore, #tpu.memory_space<semaphore_mem>>, %arg15: memref<!tpu.dma_semaphore, #tpu.memory_space<semaphore_mem>>, %arg16: memref<!tpu.dma_semaphore, #tpu.memory_space<semaphore_mem>>, %arg17: memref<!tpu.dma_semaphore, #tpu.memory_space<semaphore_mem>>) attributes {dimension_semantics = [#tpu.dimension_semantics<core_parallel>, #tpu.dimension_semantics<subcore_parallel>], iteration_bounds = array<i64: 2, 16>, scalar_prefetch = 0 : i64, scratch_operands = 11 : i64, tpu.core_type = #tpu.core_type<sc_vector_subcore>, window_params = [{transform_indices = #map}, {transform_indices = #map1}, {transform_indices = #map1}, {transform_indices = #map}, {transform_indices = #map1}]} {
    %mul3A = arith.constant 2 : i32
    %mul3A_0 = arith.muli %arg1, %mul3A : i32
    %add3A = arith.addi %mul3A_0, %arg0 : i32
    %mul3A_1 = arith.constant 632 : i32
    %mul3A_2 = arith.muli %arg1, %mul3A_1 : i32
    %mul3A_3 = arith.constant 632 : i32
    %mul3A_4 = arith.muli %arg1, %mul3A_3 : i32
    "tpu.region"() ({
      %run_scoped3A_33 = tpu.sem_alloc : memref<!tpu.dma_semaphore, #tpu.memory_space<semaphore_mem>>
      %dma_start3A_34 = arith.constant 0 : i32
      %dma_start3A_35 = tpu.memref_slice %arg13[%mul3A_4, %dma_start3A_34] : memref<10112x128xf32, #tpu.memory_space<vmem_shared>> -> memref<632x128xf32, #tpu.memory_space<vmem_shared>>
      %dma_start3A_36 = arith.constant 0 : i32
      %dma_start3A_37 = tpu.memref_slice %arg5[%mul3A_2, %dma_start3A_36] : memref<10112x128xf32, #tpu.memory_space<hbm>> -> memref<632x128xf32, #tpu.memory_space<hbm>>
      tpu.enqueue_dma source(%dma_start3A_37 : memref<632x128xf32, #tpu.memory_space<hbm>>) target(%dma_start3A_35 : memref<632x128xf32, #tpu.memory_space<vmem_shared>>) target_semaphore(%run_scoped3A_33 : memref<!tpu.dma_semaphore, #tpu.memory_space<semaphore_mem>>)
      %dma_wait3A_38 = arith.constant 0 : i32
      %dma_wait3A_39 = tpu.memref_slice %arg13[%mul3A_4, %dma_wait3A_38] : memref<10112x128xf32, #tpu.memory_space<vmem_shared>> -> memref<632x128xf32, #tpu.memory_space<vmem_shared>>
      %dma_wait3A_40 = arith.constant 0 : i32
      %dma_wait3A_41 = tpu.memref_slice %arg5[%mul3A_2, %dma_wait3A_40] : memref<10112x128xf32, #tpu.memory_space<hbm>> -> memref<632x128xf32, #tpu.memory_space<hbm>>
      tpu.wait_dma2 semaphore(%run_scoped3A_33 : memref<!tpu.dma_semaphore, #tpu.memory_space<semaphore_mem>>) src(%dma_wait3A_41 : memref<632x128xf32, #tpu.memory_space<hbm>>) dst(%dma_wait3A_39 : memref<632x128xf32, #tpu.memory_space<vmem_shared>>)
      tpu.yield
    }) : () -> ()
    %run_scoped3A = arith.constant 0 : i32
    "tpu.region"() ({
      %run_scoped3A_33 = tpu.sem_alloc : memref<!tpu.dma_semaphore, #tpu.memory_space<semaphore_mem>>
      %dma_start3A_34 = arith.constant 0 : i32
      %dma_start3A_35 = tpu.memref_slice %arg3[%add3A, %run_scoped3A, %dma_start3A_34] : memref<32x125x80xi32, #tpu.memory_space<hbm>> -> memref<1x1x80xi32, #tpu.memory_space<hbm>>
      %dma_start3A_36 = tpu.memref_squeeze %dma_start3A_35 : memref<1x1x80xi32, #tpu.memory_space<hbm>> -> memref<80xi32, #tpu.memory_space<hbm>>
      %dma_start3A_37 = arith.constant 0 : i32
      %dma_start3A_38 = tpu.memref_slice %arg3[%add3A, %run_scoped3A, %dma_start3A_37] : memref<32x125x80xi32, #tpu.memory_space<hbm>> -> memref<1x1x80xi32, #tpu.memory_space<hbm>>
      %dma_start3A_39 = tpu.memref_squeeze %dma_start3A_38 : memref<1x1x80xi32, #tpu.memory_space<hbm>> -> memref<80xi32, #tpu.memory_space<hbm>>
      tpu.enqueue_dma source(%dma_start3A_39 : memref<80xi32, #tpu.memory_space<hbm>>) target(%arg7 : memref<80xi32, #tpu.memory_space<vmem>>) target_semaphore(%run_scoped3A_33 : memref<!tpu.dma_semaphore, #tpu.memory_space<semaphore_mem>>)
      %dma_wait3A_40 = arith.constant 0 : i32
      %dma_wait3A_41 = tpu.memref_slice %arg3[%add3A, %run_scoped3A, %dma_wait3A_40] : memref<32x125x80xi32, #tpu.memory_space<hbm>> -> memref<1x1x80xi32, #tpu.memory_space<hbm>>
      %dma_wait3A_42 = tpu.memref_squeeze %dma_wait3A_41 : memref<1x1x80xi32, #tpu.memory_space<hbm>> -> memref<80xi32, #tpu.memory_space<hbm>>
      %dma_wait3A_43 = arith.constant 0 : i32
      %dma_wait3A_44 = tpu.memref_slice %arg3[%add3A, %run_scoped3A, %dma_wait3A_43] : memref<32x125x80xi32, #tpu.memory_space<hbm>> -> memref<1x1x80xi32, #tpu.memory_space<hbm>>
      %dma_wait3A_45 = tpu.memref_squeeze %dma_wait3A_44 : memref<1x1x80xi32, #tpu.memory_space<hbm>> -> memref<80xi32, #tpu.memory_space<hbm>>
      tpu.wait_dma2 semaphore(%run_scoped3A_33 : memref<!tpu.dma_semaphore, #tpu.memory_space<semaphore_mem>>) src(%dma_wait3A_45 : memref<80xi32, #tpu.memory_space<hbm>>) dst(%arg7 : memref<80xi32, #tpu.memory_space<vmem>>)
      tpu.yield
    }) : () -> ()
    %run_scoped3A_5 = arith.constant 0 : i32
    "tpu.region"() ({
      %run_scoped3A_33 = tpu.sem_alloc : memref<!tpu.dma_semaphore, #tpu.memory_space<semaphore_mem>>
      %dma_start3A_34 = arith.constant 0 : i32
      %dma_start3A_35 = tpu.memref_slice %arg4[%add3A, %run_scoped3A_5, %dma_start3A_34] : memref<32x125x80xi32, #tpu.memory_space<hbm>> -> memref<1x1x80xi32, #tpu.memory_space<hbm>>
      %dma_start3A_36 = tpu.memref_squeeze %dma_start3A_35 : memref<1x1x80xi32, #tpu.memory_space<hbm>> -> memref<80xi32, #tpu.memory_space<hbm>>
      %dma_start3A_37 = arith.constant 0 : i32
      %dma_start3A_38 = tpu.memref_slice %arg4[%add3A, %run_scoped3A_5, %dma_start3A_37] : memref<32x125x80xi32, #tpu.memory_space<hbm>> -> memref<1x1x80xi32, #tpu.memory_space<hbm>>
      %dma_start3A_39 = tpu.memref_squeeze %dma_start3A_38 : memref<1x1x80xi32, #tpu.memory_space<hbm>> -> memref<80xi32, #tpu.memory_space<hbm>>
      tpu.enqueue_dma source(%dma_start3A_39 : memref<80xi32, #tpu.memory_space<hbm>>) target(%arg8 : memref<80xi32, #tpu.memory_space<vmem>>) target_semaphore(%run_scoped3A_33 : memref<!tpu.dma_semaphore, #tpu.memory_space<semaphore_mem>>)
      %dma_wait3A_40 = arith.constant 0 : i32
      %dma_wait3A_41 = tpu.memref_slice %arg4[%add3A, %run_scoped3A_5, %dma_wait3A_40] : memref<32x125x80xi32, #tpu.memory_space<hbm>> -> memref<1x1x80xi32, #tpu.memory_space<hbm>>
      %dma_wait3A_42 = tpu.memref_squeeze %dma_wait3A_41 : memref<1x1x80xi32, #tpu.memory_space<hbm>> -> memref<80xi32, #tpu.memory_space<hbm>>
      %dma_wait3A_43 = arith.constant 0 : i32
      %dma_wait3A_44 = tpu.memref_slice %arg4[%add3A, %run_scoped3A_5, %dma_wait3A_43] : memref<32x125x80xi32, #tpu.memory_space<hbm>> -> memref<1x1x80xi32, #tpu.memory_space<hbm>>
      %dma_wait3A_45 = tpu.memref_squeeze %dma_wait3A_44 : memref<1x1x80xi32, #tpu.memory_space<hbm>> -> memref<80xi32, #tpu.memory_space<hbm>>
      tpu.wait_dma2 semaphore(%run_scoped3A_33 : memref<!tpu.dma_semaphore, #tpu.memory_space<semaphore_mem>>) src(%dma_wait3A_45 : memref<80xi32, #tpu.memory_space<hbm>>) dst(%arg8 : memref<80xi32, #tpu.memory_space<vmem>>)
      tpu.yield
    }) : () -> ()
    %barrier3A = arith.constant 0 : index
    tpu.barrier barrier_id(%barrier3A)
    %dma_start3A = arith.constant 0 : i32
    %dma_start3A_6 = arith.constant 0 : i32
    %dma_start3A_7 = tpu.memref_slice %arg2[%dma_start3A, %dma_start3A_6] : memref<10000x128xf32, #tpu.memory_space<hbm>> -> memref<10000x128xf32, #tpu.memory_space<hbm>>
    tpu.enqueue_indirect_dma source(%dma_start3A_7 : memref<10000x128xf32, #tpu.memory_space<hbm>>) target(%arg11 : memref<80x128xf32, #tpu.memory_space<vmem>>) offsets(%arg7 : memref<80xi32, #tpu.memory_space<vmem>>) semaphore(%arg14 : memref<!tpu.dma_semaphore, #tpu.memory_space<semaphore_mem>>)
    %dma_start3A_8 = arith.constant 1 : i32
    %dma_start3A_9 = arith.constant 0 : i32
    %dma_start3A_10 = tpu.memref_slice %arg3[%add3A, %dma_start3A_8, %dma_start3A_9] : memref<32x125x80xi32, #tpu.memory_space<hbm>> -> memref<1x1x80xi32, #tpu.memory_space<hbm>>
    %dma_start3A_11 = tpu.memref_squeeze %dma_start3A_10 : memref<1x1x80xi32, #tpu.memory_space<hbm>> -> memref<80xi32, #tpu.memory_space<hbm>>
    %dma_start3A_12 = arith.constant 0 : i32
    %dma_start3A_13 = tpu.memref_slice %arg3[%add3A, %dma_start3A_8, %dma_start3A_12] : memref<32x125x80xi32, #tpu.memory_space<hbm>> -> memref<1x1x80xi32, #tpu.memory_space<hbm>>
    %dma_start3A_14 = tpu.memref_squeeze %dma_start3A_13 : memref<1x1x80xi32, #tpu.memory_space<hbm>> -> memref<80xi32, #tpu.memory_space<hbm>>
    tpu.enqueue_dma source(%dma_start3A_14 : memref<80xi32, #tpu.memory_space<hbm>>) target(%arg9 : memref<80xi32, #tpu.memory_space<vmem>>) target_semaphore(%arg17 : memref<!tpu.dma_semaphore, #tpu.memory_space<semaphore_mem>>)
    %dma_start3A_15 = arith.constant 1 : i32
    %dma_start3A_16 = arith.constant 0 : i32
    %dma_start3A_17 = tpu.memref_slice %arg4[%add3A, %dma_start3A_15, %dma_start3A_16] : memref<32x125x80xi32, #tpu.memory_space<hbm>> -> memref<1x1x80xi32, #tpu.memory_space<hbm>>
    %dma_start3A_18 = tpu.memref_squeeze %dma_start3A_17 : memref<1x1x80xi32, #tpu.memory_space<hbm>> -> memref<80xi32, #tpu.memory_space<hbm>>
    %dma_start3A_19 = arith.constant 0 : i32
    %dma_start3A_20 = tpu.memref_slice %arg4[%add3A, %dma_start3A_15, %dma_start3A_19] : memref<32x125x80xi32, #tpu.memory_space<hbm>> -> memref<1x1x80xi32, #tpu.memory_space<hbm>>
    %dma_start3A_21 = tpu.memref_squeeze %dma_start3A_20 : memref<1x1x80xi32, #tpu.memory_space<hbm>> -> memref<80xi32, #tpu.memory_space<hbm>>
    tpu.enqueue_dma source(%dma_start3A_21 : memref<80xi32, #tpu.memory_space<hbm>>) target(%arg10 : memref<80xi32, #tpu.memory_space<vmem>>) target_semaphore(%arg17 : memref<!tpu.dma_semaphore, #tpu.memory_space<semaphore_mem>>)
    %scan3A = arith.constant 0 : i32
    %scan3A_22 = arith.constant 62 : i32
    %scan3A_23 = arith.addi %scan3A, %scan3A_22 : i32
    %scan3A_24 = arith.constant 1 : i32
    scf.for %scan3A_33 = %scan3A to %scan3A_23 step %scan3A_24  : i32 {
      %mul3A_34 = arith.constant 1 : i32
      %mul3A_35 = arith.muli %scan3A_33, %mul3A_34 : i32
      %add3A_36 = arith.constant 0 : i32
      %add3A_37 = arith.addi %add3A_36, %mul3A_35 : i32
      %mul3A_38 = arith.constant 2 : i32
      %mul3A_39 = arith.muli %mul3A_38, %add3A_37 : i32
      %dma_wait3A_40 = arith.constant 0 : i32
      %dma_wait3A_41 = arith.constant 0 : i32
      %dma_wait3A_42 = tpu.memref_slice %arg2[%dma_wait3A_40, %dma_wait3A_41] : memref<10000x128xf32, #tpu.memory_space<hbm>> -> memref<10000x128xf32, #tpu.memory_space<hbm>>
      tpu.wait_indirect_dma semaphore(%arg14 : memref<!tpu.dma_semaphore, #tpu.memory_space<semaphore_mem>>) src(%dma_wait3A_42 : memref<10000x128xf32, #tpu.memory_space<hbm>>) dst(%arg11 : memref<80x128xf32, #tpu.memory_space<vmem>>)
      %add3A_43 = arith.constant 1 : i32
      %add3A_44 = arith.addi %mul3A_39, %add3A_43 : i32
      %dma_wait3A_45 = arith.constant 0 : i32
      %dma_wait3A_46 = tpu.memref_slice %arg3[%add3A, %add3A_44, %dma_wait3A_45] : memref<32x125x80xi32, #tpu.memory_space<hbm>> -> memref<1x1x80xi32, #tpu.memory_space<hbm>>
      %dma_wait3A_47 = tpu.memref_squeeze %dma_wait3A_46 : memref<1x1x80xi32, #tpu.memory_space<hbm>> -> memref<80xi32, #tpu.memory_space<hbm>>
      %dma_wait3A_48 = arith.constant 0 : i32
      %dma_wait3A_49 = tpu.memref_slice %arg3[%add3A, %add3A_44, %dma_wait3A_48] : memref<32x125x80xi32, #tpu.memory_space<hbm>> -> memref<1x1x80xi32, #tpu.memory_space<hbm>>
      %dma_wait3A_50 = tpu.memref_squeeze %dma_wait3A_49 : memref<1x1x80xi32, #tpu.memory_space<hbm>> -> memref<80xi32, #tpu.memory_space<hbm>>
      tpu.wait_dma2 semaphore(%arg17 : memref<!tpu.dma_semaphore, #tpu.memory_space<semaphore_mem>>) src(%dma_wait3A_50 : memref<80xi32, #tpu.memory_space<hbm>>) dst(%arg9 : memref<80xi32, #tpu.memory_space<vmem>>)
      %dma_wait3A_51 = arith.constant 0 : i32
      %dma_wait3A_52 = tpu.memref_slice %arg4[%add3A, %add3A_44, %dma_wait3A_51] : memref<32x125x80xi32, #tpu.memory_space<hbm>> -> memref<1x1x80xi32, #tpu.memory_space<hbm>>
      %dma_wait3A_53 = tpu.memref_squeeze %dma_wait3A_52 : memref<1x1x80xi32, #tpu.memory_space<hbm>> -> memref<80xi32, #tpu.memory_space<hbm>>
      %dma_wait3A_54 = arith.constant 0 : i32
      %dma_wait3A_55 = tpu.memref_slice %arg4[%add3A, %add3A_44, %dma_wait3A_54] : memref<32x125x80xi32, #tpu.memory_space<hbm>> -> memref<1x1x80xi32, #tpu.memory_space<hbm>>
      %dma_wait3A_56 = tpu.memref_squeeze %dma_wait3A_55 : memref<1x1x80xi32, #tpu.memory_space<hbm>> -> memref<80xi32, #tpu.memory_space<hbm>>
      tpu.wait_dma2 semaphore(%arg17 : memref<!tpu.dma_semaphore, #tpu.memory_space<semaphore_mem>>) src(%dma_wait3A_56 : memref<80xi32, #tpu.memory_space<hbm>>) dst(%arg10 : memref<80xi32, #tpu.memory_space<vmem>>)
      %dma_start3A_57 = arith.constant 0 : i32
      %dma_start3A_58 = arith.constant 0 : i32
      %dma_start3A_59 = tpu.memref_slice %arg2[%dma_start3A_57, %dma_start3A_58] : memref<10000x128xf32, #tpu.memory_space<hbm>> -> memref<10000x128xf32, #tpu.memory_space<hbm>>
      tpu.enqueue_indirect_dma source(%dma_start3A_59 : memref<10000x128xf32, #tpu.memory_space<hbm>>) target(%arg12 : memref<80x128xf32, #tpu.memory_space<vmem>>) offsets(%arg9 : memref<80xi32, #tpu.memory_space<vmem>>) semaphore(%arg15 : memref<!tpu.dma_semaphore, #tpu.memory_space<semaphore_mem>>)
      "tpu.region"() ({
        %run_scoped3A_98 = tpu.sem_alloc : memref<!tpu.dma_semaphore, #tpu.memory_space<semaphore_mem>>
        %dma_start3A_99 = arith.constant 0 : i32
        %dma_start3A_100 = arith.constant 0 : i32
        %dma_start3A_101 = tpu.memref_slice %arg13[%dma_start3A_99, %dma_start3A_100] : memref<10112x128xf32, #tpu.memory_space<vmem_shared>> -> memref<10112x128xf32, #tpu.memory_space<vmem_shared>>
        tpu.enqueue_indirect_dma source(%arg11 : memref<80x128xf32, #tpu.memory_space<vmem>>) target(%dma_start3A_101 : memref<10112x128xf32, #tpu.memory_space<vmem_shared>>) offsets(%arg8 : memref<80xi32, #tpu.memory_space<vmem>>) semaphore(%run_scoped3A_98 : memref<!tpu.dma_semaphore, #tpu.memory_space<semaphore_mem>>) {add = true}
        %dma_wait3A_102 = arith.constant 0 : i32
        %dma_wait3A_103 = arith.constant 0 : i32
        %dma_wait3A_104 = tpu.memref_slice %arg13[%dma_wait3A_102, %dma_wait3A_103] : memref<10112x128xf32, #tpu.memory_space<vmem_shared>> -> memref<10112x128xf32, #tpu.memory_space<vmem_shared>>
        tpu.wait_indirect_dma semaphore(%run_scoped3A_98 : memref<!tpu.dma_semaphore, #tpu.memory_space<semaphore_mem>>) src(%arg11 : memref<80x128xf32, #tpu.memory_space<vmem>>) dst(%dma_wait3A_104 : memref<10112x128xf32, #tpu.memory_space<vmem_shared>>)
        tpu.yield
      }) : () -> ()
      %add3A_60 = arith.constant 2 : i32
      %add3A_61 = arith.addi %mul3A_39, %add3A_60 : i32
      %dma_start3A_62 = arith.constant 0 : i32
      %dma_start3A_63 = tpu.memref_slice %arg3[%add3A, %add3A_61, %dma_start3A_62] : memref<32x125x80xi32, #tpu.memory_space<hbm>> -> memref<1x1x80xi32, #tpu.memory_space<hbm>>
      %dma_start3A_64 = tpu.memref_squeeze %dma_start3A_63 : memref<1x1x80xi32, #tpu.memory_space<hbm>> -> memref<80xi32, #tpu.memory_space<hbm>>
      %dma_start3A_65 = arith.constant 0 : i32
      %dma_start3A_66 = tpu.memref_slice %arg3[%add3A, %add3A_61, %dma_start3A_65] : memref<32x125x80xi32, #tpu.memory_space<hbm>> -> memref<1x1x80xi32, #tpu.memory_space<hbm>>
      %dma_start3A_67 = tpu.memref_squeeze %dma_start3A_66 : memref<1x1x80xi32, #tpu.memory_space<hbm>> -> memref<80xi32, #tpu.memory_space<hbm>>
      tpu.enqueue_dma source(%dma_start3A_67 : memref<80xi32, #tpu.memory_space<hbm>>) target(%arg7 : memref<80xi32, #tpu.memory_space<vmem>>) target_semaphore(%arg16 : memref<!tpu.dma_semaphore, #tpu.memory_space<semaphore_mem>>)
      %dma_start3A_68 = arith.constant 0 : i32
      %dma_start3A_69 = tpu.memref_slice %arg4[%add3A, %add3A_61, %dma_start3A_68] : memref<32x125x80xi32, #tpu.memory_space<hbm>> -> memref<1x1x80xi32, #tpu.memory_space<hbm>>
      %dma_start3A_70 = tpu.memref_squeeze %dma_start3A_69 : memref<1x1x80xi32, #tpu.memory_space<hbm>> -> memref<80xi32, #tpu.memory_space<hbm>>
      %dma_start3A_71 = arith.constant 0 : i32
      %dma_start3A_72 = tpu.memref_slice %arg4[%add3A, %add3A_61, %dma_start3A_71] : memref<32x125x80xi32, #tpu.memory_space<hbm>> -> memref<1x1x80xi32, #tpu.memory_space<hbm>>
      %dma_start3A_73 = tpu.memref_squeeze %dma_start3A_72 : memref<1x1x80xi32, #tpu.memory_space<hbm>> -> memref<80xi32, #tpu.memory_space<hbm>>
      tpu.enqueue_dma source(%dma_start3A_73 : memref<80xi32, #tpu.memory_space<hbm>>) target(%arg8 : memref<80xi32, #tpu.memory_space<vmem>>) target_semaphore(%arg16 : memref<!tpu.dma_semaphore, #tpu.memory_space<semaphore_mem>>)
      %dma_wait3A_74 = arith.constant 0 : i32
      %dma_wait3A_75 = arith.constant 0 : i32
      %dma_wait3A_76 = tpu.memref_slice %arg2[%dma_wait3A_74, %dma_wait3A_75] : memref<10000x128xf32, #tpu.memory_space<hbm>> -> memref<10000x128xf32, #tpu.memory_space<hbm>>
      tpu.wait_indirect_dma semaphore(%arg15 : memref<!tpu.dma_semaphore, #tpu.memory_space<semaphore_mem>>) src(%dma_wait3A_76 : memref<10000x128xf32, #tpu.memory_space<hbm>>) dst(%arg12 : memref<80x128xf32, #tpu.memory_space<vmem>>)
      %add3A_77 = arith.constant 2 : i32
      %add3A_78 = arith.addi %mul3A_39, %add3A_77 : i32
      %dma_wait3A_79 = arith.constant 0 : i32
      %dma_wait3A_80 = tpu.memref_slice %arg3[%add3A, %add3A_78, %dma_wait3A_79] : memref<32x125x80xi32, #tpu.memory_space<hbm>> -> memref<1x1x80xi32, #tpu.memory_space<hbm>>
      %dma_wait3A_81 = tpu.memref_squeeze %dma_wait3A_80 : memref<1x1x80xi32, #tpu.memory_space<hbm>> -> memref<80xi32, #tpu.memory_space<hbm>>
      %dma_wait3A_82 = arith.constant 0 : i32
      %dma_wait3A_83 = tpu.memref_slice %arg3[%add3A, %add3A_78, %dma_wait3A_82] : memref<32x125x80xi32, #tpu.memory_space<hbm>> -> memref<1x1x80xi32, #tpu.memory_space<hbm>>
      %dma_wait3A_84 = tpu.memref_squeeze %dma_wait3A_83 : memref<1x1x80xi32, #tpu.memory_space<hbm>> -> memref<80xi32, #tpu.memory_space<hbm>>
      tpu.wait_dma2 semaphore(%arg16 : memref<!tpu.dma_semaphore, #tpu.memory_space<semaphore_mem>>) src(%dma_wait3A_84 : memref<80xi32, #tpu.memory_space<hbm>>) dst(%arg7 : memref<80xi32, #tpu.memory_space<vmem>>)
      %dma_wait3A_85 = arith.constant 0 : i32
      %dma_wait3A_86 = tpu.memref_slice %arg4[%add3A, %add3A_78, %dma_wait3A_85] : memref<32x125x80xi32, #tpu.memory_space<hbm>> -> memref<1x1x80xi32, #tpu.memory_space<hbm>>
      %dma_wait3A_87 = tpu.memref_squeeze %dma_wait3A_86 : memref<1x1x80xi32, #tpu.memory_space<hbm>> -> memref<80xi32, #tpu.memory_space<hbm>>
      %dma_wait3A_88 = arith.constant 0 : i32
      %dma_wait3A_89 = tpu.memref_slice %arg4[%add3A, %add3A_78, %dma_wait3A_88] : memref<32x125x80xi32, #tpu.memory_space<hbm>> -> memref<1x1x80xi32, #tpu.memory_space<hbm>>
      %dma_wait3A_90 = tpu.memref_squeeze %dma_wait3A_89 : memref<1x1x80xi32, #tpu.memory_space<hbm>> -> memref<80xi32, #tpu.memory_space<hbm>>
      tpu.wait_dma2 semaphore(%arg16 : memref<!tpu.dma_semaphore, #tpu.memory_space<semaphore_mem>>) src(%dma_wait3A_90 : memref<80xi32, #tpu.memory_space<hbm>>) dst(%arg8 : memref<80xi32, #tpu.memory_space<vmem>>)
      %dma_start3A_91 = arith.constant 0 : i32
      %dma_start3A_92 = arith.constant 0 : i32
      %dma_start3A_93 = tpu.memref_slice %arg2[%dma_start3A_91, %dma_start3A_92] : memref<10000x128xf32, #tpu.memory_space<hbm>> -> memref<10000x128xf32, #tpu.memory_space<hbm>>
      tpu.enqueue_indirect_dma source(%dma_start3A_93 : memref<10000x128xf32, #tpu.memory_space<hbm>>) target(%arg11 : memref<80x128xf32, #tpu.memory_space<vmem>>) offsets(%arg7 : memref<80xi32, #tpu.memory_space<vmem>>) semaphore(%arg14 : memref<!tpu.dma_semaphore, #tpu.memory_space<semaphore_mem>>)
      "tpu.region"() ({
        %run_scoped3A_98 = tpu.sem_alloc : memref<!tpu.dma_semaphore, #tpu.memory_space<semaphore_mem>>
        %dma_start3A_99 = arith.constant 0 : i32
        %dma_start3A_100 = arith.constant 0 : i32
        %dma_start3A_101 = tpu.memref_slice %arg13[%dma_start3A_99, %dma_start3A_100] : memref<10112x128xf32, #tpu.memory_space<vmem_shared>> -> memref<10112x128xf32, #tpu.memory_space<vmem_shared>>
        tpu.enqueue_indirect_dma source(%arg12 : memref<80x128xf32, #tpu.memory_space<vmem>>) target(%dma_start3A_101 : memref<10112x128xf32, #tpu.memory_space<vmem_shared>>) offsets(%arg10 : memref<80xi32, #tpu.memory_space<vmem>>) semaphore(%run_scoped3A_98 : memref<!tpu.dma_semaphore, #tpu.memory_space<semaphore_mem>>) {add = true}
        %dma_wait3A_102 = arith.constant 0 : i32
        %dma_wait3A_103 = arith.constant 0 : i32
        %dma_wait3A_104 = tpu.memref_slice %arg13[%dma_wait3A_102, %dma_wait3A_103] : memref<10112x128xf32, #tpu.memory_space<vmem_shared>> -> memref<10112x128xf32, #tpu.memory_space<vmem_shared>>
        tpu.wait_indirect_dma semaphore(%run_scoped3A_98 : memref<!tpu.dma_semaphore, #tpu.memory_space<semaphore_mem>>) src(%arg12 : memref<80x128xf32, #tpu.memory_space<vmem>>) dst(%dma_wait3A_104 : memref<10112x128xf32, #tpu.memory_space<vmem_shared>>)
        tpu.yield
      }) : () -> ()
      %add3A_94 = arith.constant 3 : i32
      %add3A_95 = arith.addi %mul3A_39, %add3A_94 : i32
      %lt3A = arith.constant 125 : i32
      %lt3A_96 = arith.cmpi slt, %add3A_95, %lt3A : i32
      %convert_element_type3A = arith.extui %lt3A_96 : i1 to i32
      %cond3A = arith.constant 0 : i32
      %cond3A_97 = arith.cmpi ne, %convert_element_type3A, %cond3A : i32
      scf.if %cond3A_97 {
        %add3A_98 = arith.constant 3 : i32
        %add3A_99 = arith.addi %mul3A_39, %add3A_98 : i32
        %dma_start3A_100 = arith.constant 0 : i32
        %dma_start3A_101 = tpu.memref_slice %arg3[%add3A, %add3A_99, %dma_start3A_100] : memref<32x125x80xi32, #tpu.memory_space<hbm>> -> memref<1x1x80xi32, #tpu.memory_space<hbm>>
        %dma_start3A_102 = tpu.memref_squeeze %dma_start3A_101 : memref<1x1x80xi32, #tpu.memory_space<hbm>> -> memref<80xi32, #tpu.memory_space<hbm>>
        %dma_start3A_103 = arith.constant 0 : i32
        %dma_start3A_104 = tpu.memref_slice %arg3[%add3A, %add3A_99, %dma_start3A_103] : memref<32x125x80xi32, #tpu.memory_space<hbm>> -> memref<1x1x80xi32, #tpu.memory_space<hbm>>
        %dma_start3A_105 = tpu.memref_squeeze %dma_start3A_104 : memref<1x1x80xi32, #tpu.memory_space<hbm>> -> memref<80xi32, #tpu.memory_space<hbm>>
        tpu.enqueue_dma source(%dma_start3A_105 : memref<80xi32, #tpu.memory_space<hbm>>) target(%arg9 : memref<80xi32, #tpu.memory_space<vmem>>) target_semaphore(%arg17 : memref<!tpu.dma_semaphore, #tpu.memory_space<semaphore_mem>>)
        %dma_start3A_106 = arith.constant 0 : i32
        %dma_start3A_107 = tpu.memref_slice %arg4[%add3A, %add3A_99, %dma_start3A_106] : memref<32x125x80xi32, #tpu.memory_space<hbm>> -> memref<1x1x80xi32, #tpu.memory_space<hbm>>
        %dma_start3A_108 = tpu.memref_squeeze %dma_start3A_107 : memref<1x1x80xi32, #tpu.memory_space<hbm>> -> memref<80xi32, #tpu.memory_space<hbm>>
        %dma_start3A_109 = arith.constant 0 : i32
        %dma_start3A_110 = tpu.memref_slice %arg4[%add3A, %add3A_99, %dma_start3A_109] : memref<32x125x80xi32, #tpu.memory_space<hbm>> -> memref<1x1x80xi32, #tpu.memory_space<hbm>>
        %dma_start3A_111 = tpu.memref_squeeze %dma_start3A_110 : memref<1x1x80xi32, #tpu.memory_space<hbm>> -> memref<80xi32, #tpu.memory_space<hbm>>
        tpu.enqueue_dma source(%dma_start3A_111 : memref<80xi32, #tpu.memory_space<hbm>>) target(%arg10 : memref<80xi32, #tpu.memory_space<vmem>>) target_semaphore(%arg17 : memref<!tpu.dma_semaphore, #tpu.memory_space<semaphore_mem>>)
      } else {
      }
    }
    %scan3A_25 = arith.constant 62 : i32
    %dma_wait3A = arith.constant 0 : i32
    %dma_wait3A_26 = arith.constant 0 : i32
    %dma_wait3A_27 = tpu.memref_slice %arg2[%dma_wait3A, %dma_wait3A_26] : memref<10000x128xf32, #tpu.memory_space<hbm>> -> memref<10000x128xf32, #tpu.memory_space<hbm>>
    tpu.wait_indirect_dma semaphore(%arg14 : memref<!tpu.dma_semaphore, #tpu.memory_space<semaphore_mem>>) src(%dma_wait3A_27 : memref<10000x128xf32, #tpu.memory_space<hbm>>) dst(%arg11 : memref<80x128xf32, #tpu.memory_space<vmem>>)
    "tpu.region"() ({
      %run_scoped3A_33 = tpu.sem_alloc : memref<!tpu.dma_semaphore, #tpu.memory_space<semaphore_mem>>
      %dma_start3A_34 = arith.constant 0 : i32
      %dma_start3A_35 = arith.constant 0 : i32
      %dma_start3A_36 = tpu.memref_slice %arg13[%dma_start3A_34, %dma_start3A_35] : memref<10112x128xf32, #tpu.memory_space<vmem_shared>> -> memref<10112x128xf32, #tpu.memory_space<vmem_shared>>
      tpu.enqueue_indirect_dma source(%arg11 : memref<80x128xf32, #tpu.memory_space<vmem>>) target(%dma_start3A_36 : memref<10112x128xf32, #tpu.memory_space<vmem_shared>>) offsets(%arg8 : memref<80xi32, #tpu.memory_space<vmem>>) semaphore(%run_scoped3A_33 : memref<!tpu.dma_semaphore, #tpu.memory_space<semaphore_mem>>) {add = true}
      %dma_wait3A_37 = arith.constant 0 : i32
      %dma_wait3A_38 = arith.constant 0 : i32
      %dma_wait3A_39 = tpu.memref_slice %arg13[%dma_wait3A_37, %dma_wait3A_38] : memref<10112x128xf32, #tpu.memory_space<vmem_shared>> -> memref<10112x128xf32, #tpu.memory_space<vmem_shared>>
      tpu.wait_indirect_dma semaphore(%run_scoped3A_33 : memref<!tpu.dma_semaphore, #tpu.memory_space<semaphore_mem>>) src(%arg11 : memref<80x128xf32, #tpu.memory_space<vmem>>) dst(%dma_wait3A_39 : memref<10112x128xf32, #tpu.memory_space<vmem_shared>>)
      tpu.yield
    }) : () -> ()
    %barrier3A_28 = arith.constant 0 : index
    tpu.barrier barrier_id(%barrier3A_28)
    %mul3A_29 = arith.constant 632 : i32
    %mul3A_30 = arith.muli %arg1, %mul3A_29 : i32
    %mul3A_31 = arith.constant 632 : i32
    %mul3A_32 = arith.muli %arg1, %mul3A_31 : i32
    "tpu.region"() ({
      %run_scoped3A_33 = tpu.sem_alloc : memref<!tpu.dma_semaphore, #tpu.memory_space<semaphore_mem>>
      %dma_start3A_34 = arith.constant 0 : i32
      %dma_start3A_35 = tpu.memref_slice %arg6[%arg0, %mul3A_32, %dma_start3A_34] : memref<2x10112x128xf32, #tpu.memory_space<hbm>> -> memref<1x632x128xf32, #tpu.memory_space<hbm>>
      %dma_start3A_36 = tpu.memref_squeeze %dma_start3A_35 : memref<1x632x128xf32, #tpu.memory_space<hbm>> -> memref<632x128xf32, #tpu.memory_space<hbm>>
      %dma_start3A_37 = arith.constant 0 : i32
      %dma_start3A_38 = tpu.memref_slice %arg13[%mul3A_30, %dma_start3A_37] : memref<10112x128xf32, #tpu.memory_space<vmem_shared>> -> memref<632x128xf32, #tpu.memory_space<vmem_shared>>
      tpu.enqueue_dma source(%dma_start3A_38 : memref<632x128xf32, #tpu.memory_space<vmem_shared>>) target(%dma_start3A_36 : memref<632x128xf32, #tpu.memory_space<hbm>>) target_semaphore(%run_scoped3A_33 : memref<!tpu.dma_semaphore, #tpu.memory_space<semaphore_mem>>)
      %dma_wait3A_39 = arith.constant 0 : i32
      %dma_wait3A_40 = tpu.memref_slice %arg6[%arg0, %mul3A_32, %dma_wait3A_39] : memref<2x10112x128xf32, #tpu.memory_space<hbm>> -> memref<1x632x128xf32, #tpu.memory_space<hbm>>
      %dma_wait3A_41 = tpu.memref_squeeze %dma_wait3A_40 : memref<1x632x128xf32, #tpu.memory_space<hbm>> -> memref<632x128xf32, #tpu.memory_space<hbm>>
      %dma_wait3A_42 = arith.constant 0 : i32
      %dma_wait3A_43 = tpu.memref_slice %arg13[%mul3A_30, %dma_wait3A_42] : memref<10112x128xf32, #tpu.memory_space<vmem_shared>> -> memref<632x128xf32, #tpu.memory_space<vmem_shared>>
      tpu.wait_dma2 semaphore(%run_scoped3A_33 : memref<!tpu.dma_semaphore, #tpu.memory_space<semaphore_mem>>) src(%dma_wait3A_43 : memref<632x128xf32, #tpu.memory_space<vmem_shared>>) dst(%dma_wait3A_41 : memref<632x128xf32, #tpu.memory_space<hbm>>)
      tpu.yield
    }) : () -> ()
    return
  }
}

#map = affine_map<(d0, d1) -> (0, 0)>
#map1 = affine_map<(d0, d1) -> (0, 0, 0)>
module attributes {stable_mosaic.version = 14 : i64} {
  func.func @k(%arg0: i32, %arg1: i32, %arg2: memref<10000x128xf32, #tpu.memory_space<hbm>>, %arg3: memref<32x125x80xi32, #tpu.memory_space<hbm>>, %arg4: memref<32x125x80xi32, #tpu.memory_space<hbm>>, %arg5: memref<10112x128xf32, #tpu.memory_space<hbm>>, %arg6: memref<2x10112x128xf32, #tpu.memory_space<hbm>>, %arg7: memref<80xi32, #tpu.memory_space<vmem>>, %arg8: memref<80xi32, #tpu.memory_space<vmem>>, %arg9: memref<80xi32, #tpu.memory_space<vmem>>, %arg10: memref<80xi32, #tpu.memory_space<vmem>>, %arg11: memref<80x128xf32, #tpu.memory_space<vmem>>, %arg12: memref<80x128xf32, #tpu.memory_space<vmem>>, %arg13: memref<10112x128xf32, #tpu.memory_space<vmem_shared>>, %arg14: memref<!tpu.dma_semaphore, #tpu.memory_space<semaphore_mem>>, %arg15: memref<!tpu.dma_semaphore, #tpu.memory_space<semaphore_mem>>, %arg16: memref<!tpu.dma_semaphore, #tpu.memory_space<semaphore_mem>>, %arg17: memref<!tpu.dma_semaphore, #tpu.memory_space<semaphore_mem>>) attributes {dimension_semantics = [#tpu.dimension_semantics<core_parallel>, #tpu.dimension_semantics<subcore_parallel>], iteration_bounds = array<i64: 2, 16>, scalar_prefetch = 0 : i64, scratch_operands = 11 : i64, tpu.core_type = #tpu.core_type<sc_vector_subcore>, window_params = [{transform_indices = #map}, {transform_indices = #map1}, {transform_indices = #map1}, {transform_indices = #map}, {transform_indices = #map1}]} {
    %mul3A = arith.constant 2 : i32
    %mul3A_0 = arith.muli %arg1, %mul3A : i32
    %add3A = arith.addi %mul3A_0, %arg0 : i32
    %mul3A_1 = arith.constant 632 : i32
    %mul3A_2 = arith.muli %arg1, %mul3A_1 : i32
    %mul3A_3 = arith.constant 632 : i32
    %mul3A_4 = arith.muli %arg1, %mul3A_3 : i32
    "tpu.region"() ({
      %run_scoped3A_33 = tpu.sem_alloc : memref<!tpu.dma_semaphore, #tpu.memory_space<semaphore_mem>>
      %dma_start3A_34 = arith.constant 0 : i32
      %dma_start3A_35 = tpu.memref_slice %arg13[%mul3A_4, %dma_start3A_34] : memref<10112x128xf32, #tpu.memory_space<vmem_shared>> -> memref<632x128xf32, #tpu.memory_space<vmem_shared>>
      %dma_start3A_36 = arith.constant 0 : i32
      %dma_start3A_37 = tpu.memref_slice %arg5[%mul3A_2, %dma_start3A_36] : memref<10112x128xf32, #tpu.memory_space<hbm>> -> memref<632x128xf32, #tpu.memory_space<hbm>>
      tpu.enqueue_dma source(%dma_start3A_37 : memref<632x128xf32, #tpu.memory_space<hbm>>) target(%dma_start3A_35 : memref<632x128xf32, #tpu.memory_space<vmem_shared>>) target_semaphore(%run_scoped3A_33 : memref<!tpu.dma_semaphore, #tpu.memory_space<semaphore_mem>>)
      %dma_wait3A_38 = arith.constant 0 : i32
      %dma_wait3A_39 = tpu.memref_slice %arg13[%mul3A_4, %dma_wait3A_38] : memref<10112x128xf32, #tpu.memory_space<vmem_shared>> -> memref<632x128xf32, #tpu.memory_space<vmem_shared>>
      %dma_wait3A_40 = arith.constant 0 : i32
      %dma_wait3A_41 = tpu.memref_slice %arg5[%mul3A_2, %dma_wait3A_40] : memref<10112x128xf32, #tpu.memory_space<hbm>> -> memref<632x128xf32, #tpu.memory_space<hbm>>
      tpu.wait_dma2 semaphore(%run_scoped3A_33 : memref<!tpu.dma_semaphore, #tpu.memory_space<semaphore_mem>>) src(%dma_wait3A_41 : memref<632x128xf32, #tpu.memory_space<hbm>>) dst(%dma_wait3A_39 : memref<632x128xf32, #tpu.memory_space<vmem_shared>>)
      tpu.yield
    }) : () -> ()
    %run_scoped3A = arith.constant 0 : i32
    "tpu.region"() ({
      %run_scoped3A_33 = tpu.sem_alloc : memref<!tpu.dma_semaphore, #tpu.memory_space<semaphore_mem>>
      %dma_start3A_34 = arith.constant 0 : i32
      %dma_start3A_35 = tpu.memref_slice %arg3[%add3A, %run_scoped3A, %dma_start3A_34] : memref<32x125x80xi32, #tpu.memory_space<hbm>> -> memref<1x1x80xi32, #tpu.memory_space<hbm>>
      %dma_start3A_36 = tpu.memref_squeeze %dma_start3A_35 : memref<1x1x80xi32, #tpu.memory_space<hbm>> -> memref<80xi32, #tpu.memory_space<hbm>>
      %dma_start3A_37 = arith.constant 0 : i32
      %dma_start3A_38 = tpu.memref_slice %arg3[%add3A, %run_scoped3A, %dma_start3A_37] : memref<32x125x80xi32, #tpu.memory_space<hbm>> -> memref<1x1x80xi32, #tpu.memory_space<hbm>>
      %dma_start3A_39 = tpu.memref_squeeze %dma_start3A_38 : memref<1x1x80xi32, #tpu.memory_space<hbm>> -> memref<80xi32, #tpu.memory_space<hbm>>
      tpu.enqueue_dma source(%dma_start3A_39 : memref<80xi32, #tpu.memory_space<hbm>>) target(%arg7 : memref<80xi32, #tpu.memory_space<vmem>>) target_semaphore(%run_scoped3A_33 : memref<!tpu.dma_semaphore, #tpu.memory_space<semaphore_mem>>)
      %dma_wait3A_40 = arith.constant 0 : i32
      %dma_wait3A_41 = tpu.memref_slice %arg3[%add3A, %run_scoped3A, %dma_wait3A_40] : memref<32x125x80xi32, #tpu.memory_space<hbm>> -> memref<1x1x80xi32, #tpu.memory_space<hbm>>
      %dma_wait3A_42 = tpu.memref_squeeze %dma_wait3A_41 : memref<1x1x80xi32, #tpu.memory_space<hbm>> -> memref<80xi32, #tpu.memory_space<hbm>>
      %dma_wait3A_43 = arith.constant 0 : i32
      %dma_wait3A_44 = tpu.memref_slice %arg3[%add3A, %run_scoped3A, %dma_wait3A_43] : memref<32x125x80xi32, #tpu.memory_space<hbm>> -> memref<1x1x80xi32, #tpu.memory_space<hbm>>
      %dma_wait3A_45 = tpu.memref_squeeze %dma_wait3A_44 : memref<1x1x80xi32, #tpu.memory_space<hbm>> -> memref<80xi32, #tpu.memory_space<hbm>>
      tpu.wait_dma2 semaphore(%run_scoped3A_33 : memref<!tpu.dma_semaphore, #tpu.memory_space<semaphore_mem>>) src(%dma_wait3A_45 : memref<80xi32, #tpu.memory_space<hbm>>) dst(%arg7 : memref<80xi32, #tpu.memory_space<vmem>>)
      tpu.yield
    }) : () -> ()
    %run_scoped3A_5 = arith.constant 0 : i32
    "tpu.region"() ({
      %run_scoped3A_33 = tpu.sem_alloc : memref<!tpu.dma_semaphore, #tpu.memory_space<semaphore_mem>>
      %dma_start3A_34 = arith.constant 0 : i32
      %dma_start3A_35 = tpu.memref_slice %arg4[%add3A, %run_scoped3A_5, %dma_start3A_34] : memref<32x125x80xi32, #tpu.memory_space<hbm>> -> memref<1x1x80xi32, #tpu.memory_space<hbm>>
      %dma_start3A_36 = tpu.memref_squeeze %dma_start3A_35 : memref<1x1x80xi32, #tpu.memory_space<hbm>> -> memref<80xi32, #tpu.memory_space<hbm>>
      %dma_start3A_37 = arith.constant 0 : i32
      %dma_start3A_38 = tpu.memref_slice %arg4[%add3A, %run_scoped3A_5, %dma_start3A_37] : memref<32x125x80xi32, #tpu.memory_space<hbm>> -> memref<1x1x80xi32, #tpu.memory_space<hbm>>
      %dma_start3A_39 = tpu.memref_squeeze %dma_start3A_38 : memref<1x1x80xi32, #tpu.memory_space<hbm>> -> memref<80xi32, #tpu.memory_space<hbm>>
      tpu.enqueue_dma source(%dma_start3A_39 : memref<80xi32, #tpu.memory_space<hbm>>) target(%arg8 : memref<80xi32, #tpu.memory_space<vmem>>) target_semaphore(%run_scoped3A_33 : memref<!tpu.dma_semaphore, #tpu.memory_space<semaphore_mem>>)
      %dma_wait3A_40 = arith.constant 0 : i32
      %dma_wait3A_41 = tpu.memref_slice %arg4[%add3A, %run_scoped3A_5, %dma_wait3A_40] : memref<32x125x80xi32, #tpu.memory_space<hbm>> -> memref<1x1x80xi32, #tpu.memory_space<hbm>>
      %dma_wait3A_42 = tpu.memref_squeeze %dma_wait3A_41 : memref<1x1x80xi32, #tpu.memory_space<hbm>> -> memref<80xi32, #tpu.memory_space<hbm>>
      %dma_wait3A_43 = arith.constant 0 : i32
      %dma_wait3A_44 = tpu.memref_slice %arg4[%add3A, %run_scoped3A_5, %dma_wait3A_43] : memref<32x125x80xi32, #tpu.memory_space<hbm>> -> memref<1x1x80xi32, #tpu.memory_space<hbm>>
      %dma_wait3A_45 = tpu.memref_squeeze %dma_wait3A_44 : memref<1x1x80xi32, #tpu.memory_space<hbm>> -> memref<80xi32, #tpu.memory_space<hbm>>
      tpu.wait_dma2 semaphore(%run_scoped3A_33 : memref<!tpu.dma_semaphore, #tpu.memory_space<semaphore_mem>>) src(%dma_wait3A_45 : memref<80xi32, #tpu.memory_space<hbm>>) dst(%arg8 : memref<80xi32, #tpu.memory_space<vmem>>)
      tpu.yield
    }) : () -> ()
    %barrier3A = arith.constant 0 : index
    tpu.barrier barrier_id(%barrier3A)
    %dma_start3A = arith.constant 0 : i32
    %dma_start3A_6 = arith.constant 0 : i32
    %dma_start3A_7 = tpu.memref_slice %arg2[%dma_start3A, %dma_start3A_6] : memref<10000x128xf32, #tpu.memory_space<hbm>> -> memref<10000x128xf32, #tpu.memory_space<hbm>>
    tpu.enqueue_indirect_dma source(%dma_start3A_7 : memref<10000x128xf32, #tpu.memory_space<hbm>>) target(%arg11 : memref<80x128xf32, #tpu.memory_space<vmem>>) offsets(%arg7 : memref<80xi32, #tpu.memory_space<vmem>>) semaphore(%arg14 : memref<!tpu.dma_semaphore, #tpu.memory_space<semaphore_mem>>)
    %dma_start3A_8 = arith.constant 1 : i32
    %dma_start3A_9 = arith.constant 0 : i32
    %dma_start3A_10 = tpu.memref_slice %arg3[%add3A, %dma_start3A_8, %dma_start3A_9] : memref<32x125x80xi32, #tpu.memory_space<hbm>> -> memref<1x1x80xi32, #tpu.memory_space<hbm>>
    %dma_start3A_11 = tpu.memref_squeeze %dma_start3A_10 : memref<1x1x80xi32, #tpu.memory_space<hbm>> -> memref<80xi32, #tpu.memory_space<hbm>>
    %dma_start3A_12 = arith.constant 0 : i32
    %dma_start3A_13 = tpu.memref_slice %arg3[%add3A, %dma_start3A_8, %dma_start3A_12] : memref<32x125x80xi32, #tpu.memory_space<hbm>> -> memref<1x1x80xi32, #tpu.memory_space<hbm>>
    %dma_start3A_14 = tpu.memref_squeeze %dma_start3A_13 : memref<1x1x80xi32, #tpu.memory_space<hbm>> -> memref<80xi32, #tpu.memory_space<hbm>>
    tpu.enqueue_dma source(%dma_start3A_14 : memref<80xi32, #tpu.memory_space<hbm>>) target(%arg9 : memref<80xi32, #tpu.memory_space<vmem>>) target_semaphore(%arg17 : memref<!tpu.dma_semaphore, #tpu.memory_space<semaphore_mem>>)
    %dma_start3A_15 = arith.constant 1 : i32
    %dma_start3A_16 = arith.constant 0 : i32
    %dma_start3A_17 = tpu.memref_slice %arg4[%add3A, %dma_start3A_15, %dma_start3A_16] : memref<32x125x80xi32, #tpu.memory_space<hbm>> -> memref<1x1x80xi32, #tpu.memory_space<hbm>>
    %dma_start3A_18 = tpu.memref_squeeze %dma_start3A_17 : memref<1x1x80xi32, #tpu.memory_space<hbm>> -> memref<80xi32, #tpu.memory_space<hbm>>
    %dma_start3A_19 = arith.constant 0 : i32
    %dma_start3A_20 = tpu.memref_slice %arg4[%add3A, %dma_start3A_15, %dma_start3A_19] : memref<32x125x80xi32, #tpu.memory_space<hbm>> -> memref<1x1x80xi32, #tpu.memory_space<hbm>>
    %dma_start3A_21 = tpu.memref_squeeze %dma_start3A_20 : memref<1x1x80xi32, #tpu.memory_space<hbm>> -> memref<80xi32, #tpu.memory_space<hbm>>
    tpu.enqueue_dma source(%dma_start3A_21 : memref<80xi32, #tpu.memory_space<hbm>>) target(%arg10 : memref<80xi32, #tpu.memory_space<vmem>>) target_semaphore(%arg17 : memref<!tpu.dma_semaphore, #tpu.memory_space<semaphore_mem>>)
    %scan3A = arith.constant 0 : i32
    %scan3A_22 = arith.constant 62 : i32
    %scan3A_23 = arith.addi %scan3A, %scan3A_22 : i32
    %scan3A_24 = arith.constant 1 : i32
    scf.for %scan3A_33 = %scan3A to %scan3A_23 step %scan3A_24  : i32 {
      %mul3A_34 = arith.constant 1 : i32
      %mul3A_35 = arith.muli %scan3A_33, %mul3A_34 : i32
      %add3A_36 = arith.constant 0 : i32
      %add3A_37 = arith.addi %add3A_36, %mul3A_35 : i32
      %mul3A_38 = arith.constant 2 : i32
      %mul3A_39 = arith.muli %mul3A_38, %add3A_37 : i32
      %dma_wait3A_40 = arith.constant 0 : i32
      %dma_wait3A_41 = arith.constant 0 : i32
      %dma_wait3A_42 = tpu.memref_slice %arg2[%dma_wait3A_40, %dma_wait3A_41] : memref<10000x128xf32, #tpu.memory_space<hbm>> -> memref<10000x128xf32, #tpu.memory_space<hbm>>
      tpu.wait_indirect_dma semaphore(%arg14 : memref<!tpu.dma_semaphore, #tpu.memory_space<semaphore_mem>>) src(%dma_wait3A_42 : memref<10000x128xf32, #tpu.memory_space<hbm>>) dst(%arg11 : memref<80x128xf32, #tpu.memory_space<vmem>>)
      %add3A_43 = arith.constant 1 : i32
      %add3A_44 = arith.addi %mul3A_39, %add3A_43 : i32
      %dma_wait3A_45 = arith.constant 0 : i32
      %dma_wait3A_46 = tpu.memref_slice %arg3[%add3A, %add3A_44, %dma_wait3A_45] : memref<32x125x80xi32, #tpu.memory_space<hbm>> -> memref<1x1x80xi32, #tpu.memory_space<hbm>>
      %dma_wait3A_47 = tpu.memref_squeeze %dma_wait3A_46 : memref<1x1x80xi32, #tpu.memory_space<hbm>> -> memref<80xi32, #tpu.memory_space<hbm>>
      %dma_wait3A_48 = arith.constant 0 : i32
      %dma_wait3A_49 = tpu.memref_slice %arg3[%add3A, %add3A_44, %dma_wait3A_48] : memref<32x125x80xi32, #tpu.memory_space<hbm>> -> memref<1x1x80xi32, #tpu.memory_space<hbm>>
      %dma_wait3A_50 = tpu.memref_squeeze %dma_wait3A_49 : memref<1x1x80xi32, #tpu.memory_space<hbm>> -> memref<80xi32, #tpu.memory_space<hbm>>
      tpu.wait_dma2 semaphore(%arg17 : memref<!tpu.dma_semaphore, #tpu.memory_space<semaphore_mem>>) src(%dma_wait3A_50 : memref<80xi32, #tpu.memory_space<hbm>>) dst(%arg9 : memref<80xi32, #tpu.memory_space<vmem>>)
      %dma_wait3A_51 = arith.constant 0 : i32
      %dma_wait3A_52 = tpu.memref_slice %arg4[%add3A, %add3A_44, %dma_wait3A_51] : memref<32x125x80xi32, #tpu.memory_space<hbm>> -> memref<1x1x80xi32, #tpu.memory_space<hbm>>
      %dma_wait3A_53 = tpu.memref_squeeze %dma_wait3A_52 : memref<1x1x80xi32, #tpu.memory_space<hbm>> -> memref<80xi32, #tpu.memory_space<hbm>>
      %dma_wait3A_54 = arith.constant 0 : i32
      %dma_wait3A_55 = tpu.memref_slice %arg4[%add3A, %add3A_44, %dma_wait3A_54] : memref<32x125x80xi32, #tpu.memory_space<hbm>> -> memref<1x1x80xi32, #tpu.memory_space<hbm>>
      %dma_wait3A_56 = tpu.memref_squeeze %dma_wait3A_55 : memref<1x1x80xi32, #tpu.memory_space<hbm>> -> memref<80xi32, #tpu.memory_space<hbm>>
      tpu.wait_dma2 semaphore(%arg17 : memref<!tpu.dma_semaphore, #tpu.memory_space<semaphore_mem>>) src(%dma_wait3A_56 : memref<80xi32, #tpu.memory_space<hbm>>) dst(%arg10 : memref<80xi32, #tpu.memory_space<vmem>>)
      %dma_start3A_57 = arith.constant 0 : i32
      %dma_start3A_58 = arith.constant 0 : i32
      %dma_start3A_59 = tpu.memref_slice %arg2[%dma_start3A_57, %dma_start3A_58] : memref<10000x128xf32, #tpu.memory_space<hbm>> -> memref<10000x128xf32, #tpu.memory_space<hbm>>
      tpu.enqueue_indirect_dma source(%dma_start3A_59 : memref<10000x128xf32, #tpu.memory_space<hbm>>) target(%arg12 : memref<80x128xf32, #tpu.memory_space<vmem>>) offsets(%arg9 : memref<80xi32, #tpu.memory_space<vmem>>) semaphore(%arg15 : memref<!tpu.dma_semaphore, #tpu.memory_space<semaphore_mem>>)
      "tpu.region"() ({
        %run_scoped3A_98 = tpu.sem_alloc : memref<!tpu.dma_semaphore, #tpu.memory_space<semaphore_mem>>
        %dma_start3A_99 = arith.constant 0 : i32
        %dma_start3A_100 = arith.constant 0 : i32
        %dma_start3A_101 = tpu.memref_slice %arg13[%dma_start3A_99, %dma_start3A_100] : memref<10112x128xf32, #tpu.memory_space<vmem_shared>> -> memref<10112x128xf32, #tpu.memory_space<vmem_shared>>
        tpu.enqueue_indirect_dma source(%arg11 : memref<80x128xf32, #tpu.memory_space<vmem>>) target(%dma_start3A_101 : memref<10112x128xf32, #tpu.memory_space<vmem_shared>>) offsets(%arg8 : memref<80xi32, #tpu.memory_space<vmem>>) semaphore(%run_scoped3A_98 : memref<!tpu.dma_semaphore, #tpu.memory_space<semaphore_mem>>) {add = true}
        %dma_wait3A_102 = arith.constant 0 : i32
        %dma_wait3A_103 = arith.constant 0 : i32
        %dma_wait3A_104 = tpu.memref_slice %arg13[%dma_wait3A_102, %dma_wait3A_103] : memref<10112x128xf32, #tpu.memory_space<vmem_shared>> -> memref<10112x128xf32, #tpu.memory_space<vmem_shared>>
        tpu.wait_indirect_dma semaphore(%run_scoped3A_98 : memref<!tpu.dma_semaphore, #tpu.memory_space<semaphore_mem>>) src(%arg11 : memref<80x128xf32, #tpu.memory_space<vmem>>) dst(%dma_wait3A_104 : memref<10112x128xf32, #tpu.memory_space<vmem_shared>>)
        tpu.yield
      }) : () -> ()
      %add3A_60 = arith.constant 2 : i32
      %add3A_61 = arith.addi %mul3A_39, %add3A_60 : i32
      %dma_start3A_62 = arith.constant 0 : i32
      %dma_start3A_63 = tpu.memref_slice %arg3[%add3A, %add3A_61, %dma_start3A_62] : memref<32x125x80xi32, #tpu.memory_space<hbm>> -> memref<1x1x80xi32, #tpu.memory_space<hbm>>
      %dma_start3A_64 = tpu.memref_squeeze %dma_start3A_63 : memref<1x1x80xi32, #tpu.memory_space<hbm>> -> memref<80xi32, #tpu.memory_space<hbm>>
      %dma_start3A_65 = arith.constant 0 : i32
      %dma_start3A_66 = tpu.memref_slice %arg3[%add3A, %add3A_61, %dma_start3A_65] : memref<32x125x80xi32, #tpu.memory_space<hbm>> -> memref<1x1x80xi32, #tpu.memory_space<hbm>>
      %dma_start3A_67 = tpu.memref_squeeze %dma_start3A_66 : memref<1x1x80xi32, #tpu.memory_space<hbm>> -> memref<80xi32, #tpu.memory_space<hbm>>
      tpu.enqueue_dma source(%dma_start3A_67 : memref<80xi32, #tpu.memory_space<hbm>>) target(%arg7 : memref<80xi32, #tpu.memory_space<vmem>>) target_semaphore(%arg16 : memref<!tpu.dma_semaphore, #tpu.memory_space<semaphore_mem>>)
      %dma_start3A_68 = arith.constant 0 : i32
      %dma_start3A_69 = tpu.memref_slice %arg4[%add3A, %add3A_61, %dma_start3A_68] : memref<32x125x80xi32, #tpu.memory_space<hbm>> -> memref<1x1x80xi32, #tpu.memory_space<hbm>>
      %dma_start3A_70 = tpu.memref_squeeze %dma_start3A_69 : memref<1x1x80xi32, #tpu.memory_space<hbm>> -> memref<80xi32, #tpu.memory_space<hbm>>
      %dma_start3A_71 = arith.constant 0 : i32
      %dma_start3A_72 = tpu.memref_slice %arg4[%add3A, %add3A_61, %dma_start3A_71] : memref<32x125x80xi32, #tpu.memory_space<hbm>> -> memref<1x1x80xi32, #tpu.memory_space<hbm>>
      %dma_start3A_73 = tpu.memref_squeeze %dma_start3A_72 : memref<1x1x80xi32, #tpu.memory_space<hbm>> -> memref<80xi32, #tpu.memory_space<hbm>>
      tpu.enqueue_dma source(%dma_start3A_73 : memref<80xi32, #tpu.memory_space<hbm>>) target(%arg8 : memref<80xi32, #tpu.memory_space<vmem>>) target_semaphore(%arg16 : memref<!tpu.dma_semaphore, #tpu.memory_space<semaphore_mem>>)
      %dma_wait3A_74 = arith.constant 0 : i32
      %dma_wait3A_75 = arith.constant 0 : i32
      %dma_wait3A_76 = tpu.memref_slice %arg2[%dma_wait3A_74, %dma_wait3A_75] : memref<10000x128xf32, #tpu.memory_space<hbm>> -> memref<10000x128xf32, #tpu.memory_space<hbm>>
      tpu.wait_indirect_dma semaphore(%arg15 : memref<!tpu.dma_semaphore, #tpu.memory_space<semaphore_mem>>) src(%dma_wait3A_76 : memref<10000x128xf32, #tpu.memory_space<hbm>>) dst(%arg12 : memref<80x128xf32, #tpu.memory_space<vmem>>)
      %add3A_77 = arith.constant 2 : i32
      %add3A_78 = arith.addi %mul3A_39, %add3A_77 : i32
      %dma_wait3A_79 = arith.constant 0 : i32
      %dma_wait3A_80 = tpu.memref_slice %arg3[%add3A, %add3A_78, %dma_wait3A_79] : memref<32x125x80xi32, #tpu.memory_space<hbm>> -> memref<1x1x80xi32, #tpu.memory_space<hbm>>
      %dma_wait3A_81 = tpu.memref_squeeze %dma_wait3A_80 : memref<1x1x80xi32, #tpu.memory_space<hbm>> -> memref<80xi32, #tpu.memory_space<hbm>>
      %dma_wait3A_82 = arith.constant 0 : i32
      %dma_wait3A_83 = tpu.memref_slice %arg3[%add3A, %add3A_78, %dma_wait3A_82] : memref<32x125x80xi32, #tpu.memory_space<hbm>> -> memref<1x1x80xi32, #tpu.memory_space<hbm>>
      %dma_wait3A_84 = tpu.memref_squeeze %dma_wait3A_83 : memref<1x1x80xi32, #tpu.memory_space<hbm>> -> memref<80xi32, #tpu.memory_space<hbm>>
      tpu.wait_dma2 semaphore(%arg16 : memref<!tpu.dma_semaphore, #tpu.memory_space<semaphore_mem>>) src(%dma_wait3A_84 : memref<80xi32, #tpu.memory_space<hbm>>) dst(%arg7 : memref<80xi32, #tpu.memory_space<vmem>>)
      %dma_wait3A_85 = arith.constant 0 : i32
      %dma_wait3A_86 = tpu.memref_slice %arg4[%add3A, %add3A_78, %dma_wait3A_85] : memref<32x125x80xi32, #tpu.memory_space<hbm>> -> memref<1x1x80xi32, #tpu.memory_space<hbm>>
      %dma_wait3A_87 = tpu.memref_squeeze %dma_wait3A_86 : memref<1x1x80xi32, #tpu.memory_space<hbm>> -> memref<80xi32, #tpu.memory_space<hbm>>
      %dma_wait3A_88 = arith.constant 0 : i32
      %dma_wait3A_89 = tpu.memref_slice %arg4[%add3A, %add3A_78, %dma_wait3A_88] : memref<32x125x80xi32, #tpu.memory_space<hbm>> -> memref<1x1x80xi32, #tpu.memory_space<hbm>>
      %dma_wait3A_90 = tpu.memref_squeeze %dma_wait3A_89 : memref<1x1x80xi32, #tpu.memory_space<hbm>> -> memref<80xi32, #tpu.memory_space<hbm>>
      tpu.wait_dma2 semaphore(%arg16 : memref<!tpu.dma_semaphore, #tpu.memory_space<semaphore_mem>>) src(%dma_wait3A_90 : memref<80xi32, #tpu.memory_space<hbm>>) dst(%arg8 : memref<80xi32, #tpu.memory_space<vmem>>)
      %dma_start3A_91 = arith.constant 0 : i32
      %dma_start3A_92 = arith.constant 0 : i32
      %dma_start3A_93 = tpu.memref_slice %arg2[%dma_start3A_91, %dma_start3A_92] : memref<10000x128xf32, #tpu.memory_space<hbm>> -> memref<10000x128xf32, #tpu.memory_space<hbm>>
      tpu.enqueue_indirect_dma source(%dma_start3A_93 : memref<10000x128xf32, #tpu.memory_space<hbm>>) target(%arg11 : memref<80x128xf32, #tpu.memory_space<vmem>>) offsets(%arg7 : memref<80xi32, #tpu.memory_space<vmem>>) semaphore(%arg14 : memref<!tpu.dma_semaphore, #tpu.memory_space<semaphore_mem>>)
      "tpu.region"() ({
        %run_scoped3A_98 = tpu.sem_alloc : memref<!tpu.dma_semaphore, #tpu.memory_space<semaphore_mem>>
        %dma_start3A_99 = arith.constant 0 : i32
        %dma_start3A_100 = arith.constant 0 : i32
        %dma_start3A_101 = tpu.memref_slice %arg13[%dma_start3A_99, %dma_start3A_100] : memref<10112x128xf32, #tpu.memory_space<vmem_shared>> -> memref<10112x128xf32, #tpu.memory_space<vmem_shared>>
        tpu.enqueue_indirect_dma source(%arg12 : memref<80x128xf32, #tpu.memory_space<vmem>>) target(%dma_start3A_101 : memref<10112x128xf32, #tpu.memory_space<vmem_shared>>) offsets(%arg10 : memref<80xi32, #tpu.memory_space<vmem>>) semaphore(%run_scoped3A_98 : memref<!tpu.dma_semaphore, #tpu.memory_space<semaphore_mem>>) {add = true}
        %dma_wait3A_102 = arith.constant 0 : i32
        %dma_wait3A_103 = arith.constant 0 : i32
        %dma_wait3A_104 = tpu.memref_slice %arg13[%dma_wait3A_102, %dma_wait3A_103] : memref<10112x128xf32, #tpu.memory_space<vmem_shared>> -> memref<10112x128xf32, #tpu.memory_space<vmem_shared>>
        tpu.wait_indirect_dma semaphore(%run_scoped3A_98 : memref<!tpu.dma_semaphore, #tpu.memory_space<semaphore_mem>>) src(%arg12 : memref<80x128xf32, #tpu.memory_space<vmem>>) dst(%dma_wait3A_104 : memref<10112x128xf32, #tpu.memory_space<vmem_shared>>)
        tpu.yield
      }) : () -> ()
      %add3A_94 = arith.constant 3 : i32
      %add3A_95 = arith.addi %mul3A_39, %add3A_94 : i32
      %lt3A = arith.constant 125 : i32
      %lt3A_96 = arith.cmpi slt, %add3A_95, %lt3A : i32
      %convert_element_type3A = arith.extui %lt3A_96 : i1 to i32
      %cond3A = arith.constant 0 : i32
      %cond3A_97 = arith.cmpi ne, %convert_element_type3A, %cond3A : i32
      scf.if %cond3A_97 {
        %add3A_98 = arith.constant 3 : i32
        %add3A_99 = arith.addi %mul3A_39, %add3A_98 : i32
        %dma_start3A_100 = arith.constant 0 : i32
        %dma_start3A_101 = tpu.memref_slice %arg3[%add3A, %add3A_99, %dma_start3A_100] : memref<32x125x80xi32, #tpu.memory_space<hbm>> -> memref<1x1x80xi32, #tpu.memory_space<hbm>>
        %dma_start3A_102 = tpu.memref_squeeze %dma_start3A_101 : memref<1x1x80xi32, #tpu.memory_space<hbm>> -> memref<80xi32, #tpu.memory_space<hbm>>
        %dma_start3A_103 = arith.constant 0 : i32
        %dma_start3A_104 = tpu.memref_slice %arg3[%add3A, %add3A_99, %dma_start3A_103] : memref<32x125x80xi32, #tpu.memory_space<hbm>> -> memref<1x1x80xi32, #tpu.memory_space<hbm>>
        %dma_start3A_105 = tpu.memref_squeeze %dma_start3A_104 : memref<1x1x80xi32, #tpu.memory_space<hbm>> -> memref<80xi32, #tpu.memory_space<hbm>>
        tpu.enqueue_dma source(%dma_start3A_105 : memref<80xi32, #tpu.memory_space<hbm>>) target(%arg9 : memref<80xi32, #tpu.memory_space<vmem>>) target_semaphore(%arg17 : memref<!tpu.dma_semaphore, #tpu.memory_space<semaphore_mem>>)
        %dma_start3A_106 = arith.constant 0 : i32
        %dma_start3A_107 = tpu.memref_slice %arg4[%add3A, %add3A_99, %dma_start3A_106] : memref<32x125x80xi32, #tpu.memory_space<hbm>> -> memref<1x1x80xi32, #tpu.memory_space<hbm>>
        %dma_start3A_108 = tpu.memref_squeeze %dma_start3A_107 : memref<1x1x80xi32, #tpu.memory_space<hbm>> -> memref<80xi32, #tpu.memory_space<hbm>>
        %dma_start3A_109 = arith.constant 0 : i32
        %dma_start3A_110 = tpu.memref_slice %arg4[%add3A, %add3A_99, %dma_start3A_109] : memref<32x125x80xi32, #tpu.memory_space<hbm>> -> memref<1x1x80xi32, #tpu.memory_space<hbm>>
        %dma_start3A_111 = tpu.memref_squeeze %dma_start3A_110 : memref<1x1x80xi32, #tpu.memory_space<hbm>> -> memref<80xi32, #tpu.memory_space<hbm>>
        tpu.enqueue_dma source(%dma_start3A_111 : memref<80xi32, #tpu.memory_space<hbm>>) target(%arg10 : memref<80xi32, #tpu.memory_space<vmem>>) target_semaphore(%arg17 : memref<!tpu.dma_semaphore, #tpu.memory_space<semaphore_mem>>)
      } else {
      }
    }
    %scan3A_25 = arith.constant 62 : i32
    %dma_wait3A = arith.constant 0 : i32
    %dma_wait3A_26 = arith.constant 0 : i32
    %dma_wait3A_27 = tpu.memref_slice %arg2[%dma_wait3A, %dma_wait3A_26] : memref<10000x128xf32, #tpu.memory_space<hbm>> -> memref<10000x128xf32, #tpu.memory_space<hbm>>
    tpu.wait_indirect_dma semaphore(%arg14 : memref<!tpu.dma_semaphore, #tpu.memory_space<semaphore_mem>>) src(%dma_wait3A_27 : memref<10000x128xf32, #tpu.memory_space<hbm>>) dst(%arg11 : memref<80x128xf32, #tpu.memory_space<vmem>>)
    "tpu.region"() ({
      %run_scoped3A_33 = tpu.sem_alloc : memref<!tpu.dma_semaphore, #tpu.memory_space<semaphore_mem>>
      %dma_start3A_34 = arith.constant 0 : i32
      %dma_start3A_35 = arith.constant 0 : i32
      %dma_start3A_36 = tpu.memref_slice %arg13[%dma_start3A_34, %dma_start3A_35] : memref<10112x128xf32, #tpu.memory_space<vmem_shared>> -> memref<10112x128xf32, #tpu.memory_space<vmem_shared>>
      tpu.enqueue_indirect_dma source(%arg11 : memref<80x128xf32, #tpu.memory_space<vmem>>) target(%dma_start3A_36 : memref<10112x128xf32, #tpu.memory_space<vmem_shared>>) offsets(%arg8 : memref<80xi32, #tpu.memory_space<vmem>>) semaphore(%run_scoped3A_33 : memref<!tpu.dma_semaphore, #tpu.memory_space<semaphore_mem>>) {add = true}
      %dma_wait3A_37 = arith.constant 0 : i32
      %dma_wait3A_38 = arith.constant 0 : i32
      %dma_wait3A_39 = tpu.memref_slice %arg13[%dma_wait3A_37, %dma_wait3A_38] : memref<10112x128xf32, #tpu.memory_space<vmem_shared>> -> memref<10112x128xf32, #tpu.memory_space<vmem_shared>>
      tpu.wait_indirect_dma semaphore(%run_scoped3A_33 : memref<!tpu.dma_semaphore, #tpu.memory_space<semaphore_mem>>) src(%arg11 : memref<80x128xf32, #tpu.memory_space<vmem>>) dst(%dma_wait3A_39 : memref<10112x128xf32, #tpu.memory_space<vmem_shared>>)
      tpu.yield
    }) : () -> ()
    %barrier3A_28 = arith.constant 0 : index
    tpu.barrier barrier_id(%barrier3A_28)
    %mul3A_29 = arith.constant 632 : i32
    %mul3A_30 = arith.muli %arg1, %mul3A_29 : i32
    %mul3A_31 = arith.constant 632 : i32
    %mul3A_32 = arith.muli %arg1, %mul3A_31 : i32
    "tpu.region"() ({
      %run_scoped3A_33 = tpu.sem_alloc : memref<!tpu.dma_semaphore, #tpu.memory_space<semaphore_mem>>
      %dma_start3A_34 = arith.constant 0 : i32
      %dma_start3A_35 = tpu.memref_slice %arg6[%arg0, %mul3A_32, %dma_start3A_34] : memref<2x10112x128xf32, #tpu.memory_space<hbm>> -> memref<1x632x128xf32, #tpu.memory_space<hbm>>
      %dma_start3A_36 = tpu.memref_squeeze %dma_start3A_35 : memref<1x632x128xf32, #tpu.memory_space<hbm>> -> memref<632x128xf32, #tpu.memory_space<hbm>>
      %dma_start3A_37 = arith.constant 0 : i32
      %dma_start3A_38 = tpu.memref_slice %arg13[%mul3A_30, %dma_start3A_37] : memref<10112x128xf32, #tpu.memory_space<vmem_shared>> -> memref<632x128xf32, #tpu.memory_space<vmem_shared>>
      tpu.enqueue_dma source(%dma_start3A_38 : memref<632x128xf32, #tpu.memory_space<vmem_shared>>) target(%dma_start3A_36 : memref<632x128xf32, #tpu.memory_space<hbm>>) target_semaphore(%run_scoped3A_33 : memref<!tpu.dma_semaphore, #tpu.memory_space<semaphore_mem>>)
      %dma_wait3A_39 = arith.constant 0 : i32
      %dma_wait3A_40 = tpu.memref_slice %arg6[%arg0, %mul3A_32, %dma_wait3A_39] : memref<2x10112x128xf32, #tpu.memory_space<hbm>> -> memref<1x632x128xf32, #tpu.memory_space<hbm>>
      %dma_wait3A_41 = tpu.memref_squeeze %dma_wait3A_40 : memref<1x632x128xf32, #tpu.memory_space<hbm>> -> memref<632x128xf32, #tpu.memory_space<hbm>>
      %dma_wait3A_42 = arith.constant 0 : i32
      %dma_wait3A_43 = tpu.memref_slice %arg13[%mul3A_30, %dma_wait3A_42] : memref<10112x128xf32, #tpu.memory_space<vmem_shared>> -> memref<632x128xf32, #tpu.memory_space<vmem_shared>>
      tpu.wait_dma2 semaphore(%run_scoped3A_33 : memref<!tpu.dma_semaphore, #tpu.memory_space<semaphore_mem>>) src(%dma_wait3A_43 : memref<632x128xf32, #tpu.memory_space<vmem_shared>>) dst(%dma_wait3A_41 : memref<632x128xf32, #tpu.memory_space<hbm>>)
      tpu.yield
    }) : () -> ()
    return
  }
}

module attributes {stable_mosaic.version = 14 : i64} {
  func.func @body(%arg0: i32, %arg1: memref<1000x128xf32, #tpu.memory_space<vmem>>, %arg2: memref<1x1000x16xf32, #tpu.memory_space<vmem>>, %arg3: memref<1x1000x16xf32, #tpu.memory_space<vmem>>, %arg4: memref<1000x128xf32, #tpu.memory_space<vmem>>, %arg5: memref<1000x128xf32, #tpu.memory_space<vmem>>) attributes {dimension_semantics = [#tpu.dimension_semantics<arbitrary>], iteration_bounds = array<i64: 10>, scalar_prefetch = 0 : i64, scratch_operands = 0 : i64, tpu.core_type = #tpu.core_type<tc>, window_params = [{transform_indices = @transform_0, window_bounds = array<i64: 1000, 128>}, {transform_indices = @transform_1, window_bounds = array<i64: 1, 1000, 16>}, {transform_indices = @transform_2, window_bounds = array<i64: 1, 1000, 16>}, {transform_indices = @transform_3, window_bounds = array<i64: 1000, 128>}, {transform_indices = @transform_4, window_bounds = array<i64: 1000, 128>}]} {
    %get3A = arith.constant 0 : index
    %get3A_0 = arith.constant 0 : index
    %get3A_1 = arith.constant 0 : index
    %get3A_2 = vector.load %arg2[%get3A, %get3A_0, %get3A_1] : memref<1x1000x16xf32, #tpu.memory_space<vmem>>, vector<1x1000x1xf32>
    %get3A_3 = vector.shape_cast %get3A_2 : vector<1x1000x1xf32> to vector<1000x1xf32>
    %add3A = arith.constant 1.000000e+00 : f32
    %add3A_4 = vector.broadcast %add3A : f32 to vector<1000x1xf32>
    %add3A_5 = arith.addf %add3A_4, %get3A_3 : vector<1000x1xf32>
    %get3A_6 = arith.constant 0 : index
    %get3A_7 = arith.constant 0 : index
    %get3A_8 = arith.constant 0 : index
    %get3A_9 = vector.load %arg3[%get3A_6, %get3A_7, %get3A_8] : memref<1x1000x16xf32, #tpu.memory_space<vmem>>, vector<1x1000x1xf32>
    %get3A_10 = vector.shape_cast %get3A_9 : vector<1x1000x1xf32> to vector<1000x1xf32>
    %add3A_11 = arith.addf %add3A_5, %get3A_10 : vector<1000x1xf32>
    %rsqrt3A = math.rsqrt %add3A_11 : vector<1000x1xf32>
    %get3A_12 = arith.constant 0 : index
    %get3A_13 = arith.constant 0 : index
    %get3A_14 = vector.load %arg1[%get3A_12, %get3A_13] : memref<1000x128xf32, #tpu.memory_space<vmem>>, vector<1000x128xf32>
    %mul3A = vector.broadcast %rsqrt3A : vector<1000x1xf32> to vector<1000x128xf32>
    %mul3A_15 = arith.mulf %get3A_14, %mul3A : vector<1000x128xf32>
    %swap3A = arith.constant 0 : index
    %swap3A_16 = arith.constant 0 : index
    %swap3A_17 = vector.load %arg4[%swap3A, %swap3A_16] : memref<1000x128xf32, #tpu.memory_space<vmem>>, vector<1000x128xf32>
    tpu.vector_store %arg4[%swap3A, %swap3A_16], %mul3A_15 {strides = array<i32>} : memref<1000x128xf32, #tpu.memory_space<vmem>>, vector<1000x128xf32>,
    %broadcast_in_dim3A = vector.shape_cast %rsqrt3A : vector<1000x1xf32> to vector<1000x1xf32>
    %broadcast_in_dim3A_18 = vector.broadcast %broadcast_in_dim3A : vector<1000x1xf32> to vector<1000x128xf32>
    %swap3A_19 = arith.constant 0 : index
    %swap3A_20 = arith.constant 0 : index
    %swap3A_21 = vector.load %arg5[%swap3A_19, %swap3A_20] : memref<1000x128xf32, #tpu.memory_space<vmem>>, vector<1000x128xf32>
    tpu.vector_store %arg5[%swap3A_19, %swap3A_20], %broadcast_in_dim3A_18 {strides = array<i32>} : memref<1000x128xf32, #tpu.memory_space<vmem>>, vector<1000x128xf32>,
    return
  }
  func.func @transform_0(%arg0: i32) -> (i32, i32) {
    %c0_i32 = arith.constant 0 : i32
    %c0_i32_0 = arith.constant 0 : i32
    return %arg0, %c0_i32 : i32, i32
  }
  func.func @transform_1(%arg0: i32) -> (i32, i32, i32) {
    %c0_i32 = arith.constant 0 : i32
    %c0_i32_0 = arith.constant 0 : i32
    %c0_i32_1 = arith.constant 0 : i32
    return %c0_i32, %arg0, %c0_i32_0 : i32, i32, i32
  }
  func.func @transform_2(%arg0: i32) -> (i32, i32, i32) {
    %c1_i32 = arith.constant 1 : i32
    %c0_i32 = arith.constant 0 : i32
    %c0_i32_0 = arith.constant 0 : i32
    return %c1_i32, %arg0, %c0_i32 : i32, i32, i32
  }
  func.func @transform_3(%arg0: i32) -> (i32, i32) {
    %c0_i32 = arith.constant 0 : i32
    %c0_i32_0 = arith.constant 0 : i32
    return %arg0, %c0_i32 : i32, i32
  }
  func.func @transform_4(%arg0: i32) -> (i32, i32) {
    %c0_i32 = arith.constant 0 : i32
    %c0_i32_0 = arith.constant 0 : i32
    return %arg0, %c0_i32 : i32, i32
  }
}

module attributes {stable_mosaic.version = 14 : i64} {
  func.func @body(%arg0: i32, %arg1: memref<1x1000x128xf32, #tpu.memory_space<vmem>>, %arg2: memref<1x1000x128xf32, #tpu.memory_space<vmem>>, %arg3: memref<1000x128xf32, #tpu.memory_space<vmem>>, %arg4: memref<1000x128xf32, #tpu.memory_space<vmem>>, %arg5: memref<128x256xf32, #tpu.memory_space<vmem>>, %arg6: memref<1x256xf32, #tpu.memory_space<vmem>>, %arg7: memref<256x128xf32, #tpu.memory_space<vmem>>, %arg8: memref<1000x128xf32, #tpu.memory_space<vmem>>) attributes {dimension_semantics = [#tpu.dimension_semantics<arbitrary>], iteration_bounds = array<i64: 10>, scalar_prefetch = 0 : i64, scratch_operands = 0 : i64, tpu.core_type = #tpu.core_type<tc>, window_params = [{transform_indices = @transform_0, window_bounds = array<i64: 1, 1000, 128>}, {transform_indices = @transform_1, window_bounds = array<i64: 1, 1000, 128>}, {transform_indices = @transform_2, window_bounds = array<i64: 1000, 128>}, {transform_indices = @transform_3, window_bounds = array<i64: 1000, 128>}, {pipeline_mode = #tpu.pipeline_mode<synchronous>, transform_indices = @transform_4, window_bounds = array<i64: 128, 256>}, {pipeline_mode = #tpu.pipeline_mode<synchronous>, transform_indices = @transform_5, window_bounds = array<i64: 1, 256>}, {pipeline_mode = #tpu.pipeline_mode<synchronous>, transform_indices = @transform_6, window_bounds = array<i64: 256, 128>}, {transform_indices = @transform_7, window_bounds = array<i64: 1000, 128>}]} {
    %get3A = arith.constant 0 : index
    %get3A_0 = arith.constant 0 : index
    %get3A_1 = vector.load %arg4[%get3A, %get3A_0] : memref<1000x128xf32, #tpu.memory_space<vmem>>, vector<1000x1xf32>
    %get3A_2 = arith.constant 0 : index
    %get3A_3 = arith.constant 0 : index
    %get3A_4 = arith.constant 0 : index
    %get3A_5 = vector.load %arg1[%get3A_2, %get3A_3, %get3A_4] : memref<1x1000x128xf32, #tpu.memory_space<vmem>>, vector<1x1000x128xf32>
    %get3A_6 = vector.shape_cast %get3A_5 : vector<1x1000x128xf32> to vector<1000x128xf32>
    %get3A_7 = arith.constant 0 : index
    %get3A_8 = arith.constant 0 : index
    %get3A_9 = arith.constant 0 : index
    %get3A_10 = vector.load %arg2[%get3A_7, %get3A_8, %get3A_9] : memref<1x1000x128xf32, #tpu.memory_space<vmem>>, vector<1x1000x128xf32>
    %get3A_11 = vector.shape_cast %get3A_10 : vector<1x1000x128xf32> to vector<1000x128xf32>
    %add3A = arith.addf %get3A_6, %get3A_11 : vector<1000x128xf32>
    %get3A_12 = arith.constant 0 : index
    %get3A_13 = arith.constant 0 : index
    %get3A_14 = vector.load %arg3[%get3A_12, %get3A_13] : memref<1000x128xf32, #tpu.memory_space<vmem>>, vector<1000x128xf32>
    %add3A_15 = arith.addf %add3A, %get3A_14 : vector<1000x128xf32>
    %mul3A = vector.broadcast %get3A_1 : vector<1000x1xf32> to vector<1000x128xf32>
    %mul3A_16 = arith.mulf %mul3A, %add3A_15 : vector<1000x128xf32>
    %get3A_17 = arith.constant 0 : index
    %get3A_18 = arith.constant 0 : index
    %get3A_19 = vector.load %arg5[%get3A_17, %get3A_18] : memref<128x256xf32, #tpu.memory_space<vmem>>, vector<128x256xf32>
    %dot_general3A = arith.constant dense<0.000000e+00> : vector<1000x256xf32>
    %dot_general3A_20 = tpu.matmul %mul3A_16, %get3A_19, %dot_general3A {dimension_numbers = #tpu.dot_dimension_numbers<[1], [0], [0], [1], [0, 0, 1, 1], [], []>, transpose_lhs_hint = false} : vector<1000x128xf32>, vector<128x256xf32>, vector<1000x256xf32> -> vector<1000x256xf32>
    %get3A_21 = arith.constant 0 : index
    %get3A_22 = arith.constant 0 : index
    %get3A_23 = vector.load %arg6[%get3A_21, %get3A_22] : memref<1x256xf32, #tpu.memory_space<vmem>>, vector<1x256xf32>
    %add3A_24 = vector.broadcast %get3A_23 : vector<1x256xf32> to vector<1000x256xf32>
    %add3A_25 = arith.addf %dot_general3A_20, %add3A_24 : vector<1000x256xf32>
    %max3A = arith.constant 0.000000e+00 : f32
    %max3A_26 = vector.broadcast %max3A : f32 to vector<1000x256xf32>
    %max3A_27 = arith.maximumf %add3A_25, %max3A_26 : vector<1000x256xf32>
    %get3A_28 = arith.constant 0 : index
    %get3A_29 = arith.constant 0 : index
    %get3A_30 = vector.load %arg7[%get3A_28, %get3A_29] : memref<256x128xf32, #tpu.memory_space<vmem>>, vector<256x128xf32>
    %dot_general3A_31 = arith.constant dense<0.000000e+00> : vector<1000x128xf32>
    %dot_general3A_32 = tpu.matmul %max3A_27, %get3A_30, %dot_general3A_31 {dimension_numbers = #tpu.dot_dimension_numbers<[1], [0], [0], [1], [0, 0, 1, 1], [], []>, transpose_lhs_hint = false} : vector<1000x256xf32>, vector<256x128xf32>, vector<1000x128xf32> -> vector<1000x128xf32>
    %mul3A_33 = vector.broadcast %get3A_1 : vector<1000x1xf32> to vector<1000x128xf32>
    %mul3A_34 = arith.mulf %mul3A_33, %dot_general3A_32 : vector<1000x128xf32>
    %swap3A = arith.constant 0 : index
    %swap3A_35 = arith.constant 0 : index
    %swap3A_36 = vector.load %arg8[%swap3A, %swap3A_35] : memref<1000x128xf32, #tpu.memory_space<vmem>>, vector<1000x128xf32>
    tpu.vector_store %arg8[%swap3A, %swap3A_35], %mul3A_34 {strides = array<i32>} : memref<1000x128xf32, #tpu.memory_space<vmem>>, vector<1000x128xf32>,
    return
  }
  func.func @transform_0(%arg0: i32) -> (i32, i32, i32) {
    %c0_i32 = arith.constant 0 : i32
    %c0_i32_0 = arith.constant 0 : i32
    %c0_i32_1 = arith.constant 0 : i32
    return %c0_i32, %arg0, %c0_i32_0 : i32, i32, i32
  }
  func.func @transform_1(%arg0: i32) -> (i32, i32, i32) {
    %c1_i32 = arith.constant 1 : i32
    %c0_i32 = arith.constant 0 : i32
    %c0_i32_0 = arith.constant 0 : i32
    return %c1_i32, %arg0, %c0_i32 : i32, i32, i32
  }
  func.func @transform_2(%arg0: i32) -> (i32, i32) {
    %c0_i32 = arith.constant 0 : i32
    %c0_i32_0 = arith.constant 0 : i32
    return %arg0, %c0_i32 : i32, i32
  }
  func.func @transform_3(%arg0: i32) -> (i32, i32) {
    %c0_i32 = arith.constant 0 : i32
    %c0_i32_0 = arith.constant 0 : i32
    return %arg0, %c0_i32 : i32, i32
  }
  func.func @transform_4(%arg0: i32) -> (i32, i32) {
    %c0_i32 = arith.constant 0 : i32
    %c0_i32_0 = arith.constant 0 : i32
    %c0_i32_1 = arith.constant 0 : i32
    return %c0_i32, %c0_i32_0 : i32, i32
  }
  func.func @transform_5(%arg0: i32) -> (i32, i32) {
    %c0_i32 = arith.constant 0 : i32
    %c0_i32_0 = arith.constant 0 : i32
    %c0_i32_1 = arith.constant 0 : i32
    return %c0_i32, %c0_i32_0 : i32, i32
  }
  func.func @transform_6(%arg0: i32) -> (i32, i32) {
    %c0_i32 = arith.constant 0 : i32
    %c0_i32_0 = arith.constant 0 : i32
    %c0_i32_1 = arith.constant 0 : i32
    return %c0_i32, %c0_i32_0 : i32, i32
  }
  func.func @transform_7(%arg0: i32) -> (i32, i32) {
    %c0_i32 = arith.constant 0 : i32
    %c0_i32_0 = arith.constant 0 : i32
    return %arg0, %c0_i32 : i32, i32
  }
}

module attributes {stable_mosaic.version = 14 : i64} {
  func.func @body(%arg0: i32, %arg1: memref<1x1000x128xf32, #tpu.memory_space<vmem>>, %arg2: memref<1x1000x128xf32, #tpu.memory_space<vmem>>, %arg3: memref<1000x128xf32, #tpu.memory_space<vmem>>, %arg4: memref<1000x128xf32, #tpu.memory_space<vmem>>, %arg5: memref<1x128xf32, #tpu.memory_space<vmem>>, %arg6: memref<1000x128xf32, #tpu.memory_space<vmem>>) attributes {dimension_semantics = [#tpu.dimension_semantics<arbitrary>], iteration_bounds = array<i64: 10>, scalar_prefetch = 0 : i64, scratch_operands = 0 : i64, tpu.core_type = #tpu.core_type<tc>, window_params = [{transform_indices = @transform_0, window_bounds = array<i64: 1, 1000, 128>}, {transform_indices = @transform_1, window_bounds = array<i64: 1, 1000, 128>}, {transform_indices = @transform_2, window_bounds = array<i64: 1000, 128>}, {transform_indices = @transform_3, window_bounds = array<i64: 1000, 128>}, {pipeline_mode = #tpu.pipeline_mode<synchronous>, transform_indices = @transform_4, window_bounds = array<i64: 1, 128>}, {transform_indices = @transform_5, window_bounds = array<i64: 1000, 128>}]} {
    %get3A = arith.constant 0 : index
    %get3A_0 = arith.constant 0 : index
    %get3A_1 = vector.load %arg4[%get3A, %get3A_0] : memref<1000x128xf32, #tpu.memory_space<vmem>>, vector<1000x1xf32>
    %get3A_2 = arith.constant 0 : index
    %get3A_3 = arith.constant 0 : index
    %get3A_4 = arith.constant 0 : index
    %get3A_5 = vector.load %arg1[%get3A_2, %get3A_3, %get3A_4] : memref<1x1000x128xf32, #tpu.memory_space<vmem>>, vector<1x1000x128xf32>
    %get3A_6 = vector.shape_cast %get3A_5 : vector<1x1000x128xf32> to vector<1000x128xf32>
    %get3A_7 = arith.constant 0 : index
    %get3A_8 = arith.constant 0 : index
    %get3A_9 = arith.constant 0 : index
    %get3A_10 = vector.load %arg2[%get3A_7, %get3A_8, %get3A_9] : memref<1x1000x128xf32, #tpu.memory_space<vmem>>, vector<1x1000x128xf32>
    %get3A_11 = vector.shape_cast %get3A_10 : vector<1x1000x128xf32> to vector<1000x128xf32>
    %add3A = arith.addf %get3A_6, %get3A_11 : vector<1000x128xf32>
    %get3A_12 = arith.constant 0 : index
    %get3A_13 = arith.constant 0 : index
    %get3A_14 = vector.load %arg3[%get3A_12, %get3A_13] : memref<1000x128xf32, #tpu.memory_space<vmem>>, vector<1000x128xf32>
    %add3A_15 = arith.addf %add3A, %get3A_14 : vector<1000x128xf32>
    %mul3A = vector.broadcast %get3A_1 : vector<1000x1xf32> to vector<1000x128xf32>
    %mul3A_16 = arith.mulf %mul3A, %add3A_15 : vector<1000x128xf32>
    %get3A_17 = arith.constant 0 : index
    %get3A_18 = arith.constant 0 : index
    %get3A_19 = vector.load %arg5[%get3A_17, %get3A_18] : memref<1x128xf32, #tpu.memory_space<vmem>>, vector<1x128xf32>
    %add3A_20 = vector.broadcast %get3A_19 : vector<1x128xf32> to vector<1000x128xf32>
    %add3A_21 = arith.addf %mul3A_16, %add3A_20 : vector<1000x128xf32>
    %swap3A = arith.constant 0 : index
    %swap3A_22 = arith.constant 0 : index
    %swap3A_23 = vector.load %arg6[%swap3A, %swap3A_22] : memref<1000x128xf32, #tpu.memory_space<vmem>>, vector<1000x128xf32>
    tpu.vector_store %arg6[%swap3A, %swap3A_22], %add3A_21 {strides = array<i32>} : memref<1000x128xf32, #tpu.memory_space<vmem>>, vector<1000x128xf32>,
    return
  }
  func.func @transform_0(%arg0: i32) -> (i32, i32, i32) {
    %c0_i32 = arith.constant 0 : i32
    %c0_i32_0 = arith.constant 0 : i32
    %c0_i32_1 = arith.constant 0 : i32
    return %c0_i32, %arg0, %c0_i32_0 : i32, i32, i32
  }
  func.func @transform_1(%arg0: i32) -> (i32, i32, i32) {
    %c1_i32 = arith.constant 1 : i32
    %c0_i32 = arith.constant 0 : i32
    %c0_i32_0 = arith.constant 0 : i32
    return %c1_i32, %arg0, %c0_i32 : i32, i32, i32
  }
  func.func @transform_2(%arg0: i32) -> (i32, i32) {
    %c0_i32 = arith.constant 0 : i32
    %c0_i32_0 = arith.constant 0 : i32
    return %arg0, %c0_i32 : i32, i32
  }
  func.func @transform_3(%arg0: i32) -> (i32, i32) {
    %c0_i32 = arith.constant 0 : i32
    %c0_i32_0 = arith.constant 0 : i32
    return %arg0, %c0_i32 : i32, i32
  }
  func.func @transform_4(%arg0: i32) -> (i32, i32) {
    %c0_i32 = arith.constant 0 : i32
    %c0_i32_0 = arith.constant 0 : i32
    %c0_i32_1 = arith.constant 0 : i32
    return %c0_i32, %c0_i32_0 : i32, i32
  }
  func.func @transform_5(%arg0: i32) -> (i32, i32) {
    %c0_i32 = arith.constant 0 : i32
    %c0_i32_0 = arith.constant 0 : i32
    return %arg0, %c0_i32 : i32, i32
  }
}

</mosaic_0001>

<sc_bundles>
// kernel: kernel.11.cloned.1.call-start
scs
__scs_entry_jumppad:
0x0: {  	(pc) =	sbr.rel $0x88, $3  }
0x1: {  	(tag) =	ssettag $0x0;
	lr =	simm.s32 $0x1  }
0x2: {  	[smem:$0x3F9B] =	sst lr;
	_ =	strace $0xD0000000  }
0x3: {  	_ = 	snop  }
0x4: {  	_ = 	snop  }
0x5: {  	_ = 	snop  }
0x6: {  	_ = 	snop  }
0x7: {  	_ = 	snop  }
__scs_overlays_trampoline_lowered:
0x8: {  	[smem:$0x3FAA] =	sst s0  }
0x9: {  	[smem:$0x3FAB] =	sst s1  }
0xa: {  	[smem:$0x3FAC] =	sst s2  }
0xb: {  	[smem:$0x3FAD] =	sst s3  }
0xc: {  	[smem:$0x3FAE] =	sst s4  }
0xd: {  	[smem:$0x3FAF] =	sst s5  }
0xe: {  	[smem:$0x3FB0] =	sst s6  }
0xf: {  	[smem:$0x3FB1] =	sst s7  }
0x10: {  	[smem:$0x3FB2] =	sst s8  }
0x11: {  	[smem:$0x3FB3] =	sst s9;
	s0 =	simm.s32 @!p0 $0x0  }
0x12: {  	s1 =	sld [smem:$0x3F99];
	s0 =	simm.s32 @p0 $0x1  }
0x13: {  	[smem:$0x3FB4] =	sst s0;
	s0 =	simm.s32 @!p1 $0x0  }
0x14: {  	s2 =	sld [smem:$0x3F98];
	s0 =	simm.s32 @p1 $0x1  }
0x15: {  	[smem:$0x3FB5] =	sst s0;
	s0 =	simm.s32 @!p2 $0x0  }
0x16: {  	s3 =	sld [smem:$0x3FDB];
	s0 =	simm.s32 @p2 $0x1  }
0x17: {  	s4 =	simm.s32 $0x1BF5;
	[smem:$0x3FB7] =	sst s0  }
0x18: {  	s0 =	sld [smem:$0x3F9A];
	_ =	swait.ge [sflag:s4], $0x0  }
0x19: {  	s7 =	sld [smem:$0x3F9B]  }
0x1a: {  	s8 =	sadd.s32 $0xFFFFE003, lr  }
0x1b: {  	s9 =	sadd.s32 $0xFFFFFEF7, lr;
	s5 =	simm.s32 $0xFFFFFFFF;
	p2 =	slt.u32 s8, $0xFFFFF086  }
0x1c: {  	p1 =	slt.u32 s9, $0xF7A;
	s5 =	simm.s32 @!p2 $0x0  }
0x1d: {  	s5 =	simm.s32 @p1 $0x1;
	p0 =	seq.s32 s7, s2  }
0x1e: {  	s7 =	smul.u32 @!p0 $0xF7A, s2;
	p2 =	seq.s32 @!p0 s5, $0x0  }
0x1f: {  	s9 =	smul.u32 $0xF7A, s1;
	s8 =	simm.s32 @!p0 $0x1BF5;
	p2 =	por !p2, p0  }
0x20: {  	[sflag:s8] =	ssyncset.s32 @!p0 $0xFFFFF086;
	s6 =	sadd.s32 @!p0 s3, s7;
	s7 =	simm.s32 @!p0 $0x108  }
0x21: {  	s3 =	sadd.s32 s3, s9;
	s6 =	sadd.s32 @!p0 $0x88, s6;
	s7 =	simm.s32 @p2 $0x1082  }
0x22: {  	[simem:s7], [sflag:s8] =	dma.local @!p0 [hbm:s6], $0xF7A  }
0x23: {  	s9 =	sor.u32 $0xD0000000, s2;
	s6 =	simm.s32 $0x108;
	_ =	swait.ge @!p0 [sflag:s8], $0x0  }
0x24: {  	s3 =	sadd.s32 $0x88, s3;
	s6 =	simm.s32 @!p1 $0x1082;
	[sflag:s4] =	ssyncset.s32 $0xFFFFF086  }
0x25: {  	[simem:s6], [sflag:s4] =	dma.local [hbm:s3], $0xF7A  }
0x26: {  	[smem:$0x3F9B] =	sst s1;
	(tag) =	ssettag s2;
	_ =	strace s9  }
0x27: {  	s1 =	sld [smem:$0x3FAB]  }
0x28: {  	s2 =	sld [smem:$0x3FAC]  }
0x29: {  	s4 =	sld [smem:$0x3FAE]  }
0x2a: {  	p0 =	seq.s32 s5, $0x0;
	s5 =	sld [smem:$0x3FAF]  }
0x2b: {  	s6 =	sld [smem:$0x3FB0]  }
0x2c: {  	s7 =	sld [smem:$0x3FB1]  }
0x2d: {  	s3 =	simm.s32 $0x108;
	s8 =	sld [smem:$0x3FB2]  }
0x2e: {  	s3 =	simm.s32 @!p0 $0x1082;
	s9 =	sld [smem:$0x3FB3]  }
0x2f: {  	lr =	sadd.s32 s0, s3;
	s0 =	sld [smem:$0x3FAA]  }
0x30: {  	s3 =	sld [smem:$0x3FAD]  }
0x31: {  	[smem:$0x3FB6] =	sst s10  }
0x32: {  	s10 =	sld [smem:$0x3FB4];
	_ =	sdelay $0x3  }
0x33: {  	p0 =	seq.s32 s10, $0x1;
	s10 =	sld [smem:$0x3FB6];
	_ =	sdelay $0x3  }
0x34: {  	[smem:$0x3FB6] =	sst s10  }
0x35: {  	s10 =	sld [smem:$0x3FB5];
	_ =	sdelay $0x3  }
0x36: {  	p1 =	seq.s32 s10, $0x1;
	s10 =	sld [smem:$0x3FB6];
	_ =	sdelay $0x3  }
0x37: {  	[smem:$0x3FB6] =	sst s10  }
0x38: {  	s10 =	sld [smem:$0x3FB7]  }
0x39: {  	_ = 	snop;
	(pc) =	sbr.ind lr, $3  }
0x3a: {  	_ = 	snop  }
0x3b: {  	_ = 	snop  }
0x3c: {  	p2 =	seq.s32 s10, $0x1;
	s10 =	sld [smem:$0x3FB6]  }
0x3d: {  	_ =	shalt  }
0x3e: {  	_ =	shalt  }
0x3f: {  	_ =	shalt  }
0x40: {  	_ =	shalt  }
0x41: {  	_ =	shalt  }
0x42: {  	_ =	shalt  }
0x43: {  	_ =	shalt  }
0x44: {  	_ =	shalt  }
0x45: {  	_ =	shalt  }
0x46: {  	_ =	shalt  }
0x47: {  	_ =	shalt  }
0x48: {  	_ =	shalt  }
0x49: {  	_ =	shalt  }
0x4a: {  	_ =	shalt  }
0x4b: {  	_ =	shalt  }
0x4c: {  	_ =	shalt  }
0x4d: {  	_ =	shalt  }
0x4e: {  	_ =	shalt  }
0x4f: {  	_ =	shalt  }
0x50: {  	_ =	shalt  }
0x51: {  	_ =	shalt  }
0x52: {  	_ =	shalt  }
0x53: {  	_ =	shalt  }
0x54: {  	_ =	shalt  }
0x55: {  	_ =	shalt  }
0x56: {  	_ =	shalt  }
0x57: {  	_ =	shalt  }
0x58: {  	_ =	shalt  }
0x59: {  	_ =	shalt  }
0x5a: {  	_ =	shalt  }
0x5b: {  	_ =	shalt  }
0x5c: {  	_ =	shalt  }
0x5d: {  	_ =	shalt  }
0x5e: {  	_ =	shalt  }
0x5f: {  	_ =	shalt  }
0x60: {  	_ =	shalt  }
0x61: {  	_ =	shalt  }
0x62: {  	_ =	shalt  }
0x63: {  	_ =	shalt  }
0x64: {  	_ =	shalt  }
0x65: {  	_ =	shalt  }
0x66: {  	_ =	shalt  }
0x67: {  	_ =	shalt  }
0x68: {  	_ =	shalt  }
0x69: {  	_ =	shalt  }
0x6a: {  	_ =	shalt  }
0x6b: {  	_ =	shalt  }
0x6c: {  	_ =	shalt  }
0x6d: {  	_ =	shalt  }
0x6e: {  	_ =	shalt  }
0x6f: {  	_ =	shalt  }
0x70: {  	_ =	shalt  }
0x71: {  	_ =	shalt  }
0x72: {  	_ =	shalt  }
0x73: {  	_ =	shalt  }
0x74: {  	_ =	shalt  }
0x75: {  	_ =	shalt  }
0x76: {  	_ =	shalt  }
0x77: {  	_ =	shalt  }
0x78: {  	_ =	shalt  }
0x79: {  	_ =	shalt  }
0x7a: {  	_ =	shalt  }
0x7b: {  	_ =	shalt  }
0x7c: {  	_ =	shalt  }
0x7d: {  	_ =	shalt  }
0x7e: {  	_ =	shalt  }
0x7f: {  	_ =	shalt  }
0x80: {  	_ =	shalt  }
0x81: {  	_ =	shalt  }
0x82: {  	_ =	shalt  }
0x83: {  	_ =	shalt  }
0x84: {  	_ =	shalt  }
0x85: {  	_ =	shalt  }
0x86: {  	_ =	shalt  }
0x87: {  	_ =	shalt  }
.Lfunc_end0:
.L_simem_size_0:
called_computation.1_lowered:
.L_overlay_start_0:
0x88: {  	s2 =	sld [smem:$0x3FD9]  }
0x89: {  	s3 =	sld [smem:$0x3FFE];
	_ =	sdelay $0x1  }
0x8a: {  	s1 =	srdreg.scid  }
0x8b: {  	s0 =	sand.u32 $0x1, s1  }
0x8c: {  	s17 =	sshll.u32 s0, $0xA;
	s2 =	sadd.s32 s3, s2  }
0x8d: {  	s2 =	sadd.s32 s2, s17  }
0x8e: {  	[smem:$0x3FC2] =	sst s2  }
0x8f: {  	_ = 	snop  }
0x90: {  	s2 =	sld [smem:$0x3FD0];
	(tm) =	ssettm $0x1  }
0x91: {  	s18 =	sld [smem:$0x3FFB];
	_ =	sdelay $0x3  }
0x92: {  	_ =	strace s18  }
0x93: {  	s3 =	sld [smem:$0x3FFC];
	_ =	sdelay $0x3  }
0x94: {  	_ =	strace s3  }
0x95: {  	s3 =	sld [smem:$0x3FFD];
	_ =	sdelay $0x3  }
0x96: {  	_ =	strace s3  }
0x97: {  	_ =	strace $0x8FFFFFFF  }
0x98: {  	s19 =	sld [smem:$0x3FDB];
	_ =	sdelay $0x1  }
0x99: {  	s4 =	simm.s32 $_scs_section_size  }
0x9a: {  	s5 =	simm.s32 $_size__tile_overlayer_lowered;
	s6 =	simm.s32 $_tile_overlayer_lowered  }
0x9b: {  	s22 =	simm.s32 $0x1BFF;
	s21 =	sshll.u32 s6, $0x1;
	s3 =	sadd.s32 s4, s19  }
0x9c: {  	s7 =	simm.s32 $0x0;
	s20 =	sshll.u32 s5, $0x1;
	s5 =	sadd.s32 s21, s3  }
0x9d: {  	[timem:s7], [sflag:s22] =	dma.local [hbm:s5], s20  }
0x9e: {  	_ =	swait.ge [sflag:s22], s20  }
0x9f: {  	s4 =	ssub.s32 $0x0, s20;
	[sflag:s22] =	ssyncset.done $0x0  }
0xa0: {  	[sflag:s22] =	ssyncadd.s32 s4;
	_ =	sdelay $0x1  }
0xa1: {  	s23 =	simm.s32 $0x1B8B  }
0xa2: {  	_ =	swait.ge [sflag:s23], $0x1  }
0xa3: {  	[sflag:s23] =	ssyncset.done $0x0  }
0xa4: {  	s25 =	simm.s32 $0x1B8E;
	s24 =	sld [smem:$0x3FFE];
	[sflag:s23] =	ssyncadd.s32 $0xFFFFFFFF  }
0xa5: {  	s26 =	simm.s32 $execute0_lowered;
	[smem:$0x3FD2] =	sst s25  }
0xa6: {  	s5 =	sshll.u32 s26, $0x1;
	_ =	strace $0x80000049;
	[dreg:$0x1] =	wrdreg $0xFFFFFFFF  }
0xa7: {  	s28 =	simm.s32 $_size_execute0_lowered;
	s3 =	sadd.s32 s3, s5;
	[dreg:$0x0] =	wrdreg $0x0  }
0xa8: {  	s5 =	sshll.u32 s28, $0x1;
	[dreg:$0x2] =	wrdreg s3  }
0xa9: {  	[dreg:$0x3] =	wrdreg s5  }
0xaa: {  	[dreg:$0x4] =	wrdreg $0xC0  }
0xab: {  	_ =	task [dreg:s7], $0x5FFFF  }
0xac: {  	[dreg:$0x1] =	wrdreg $0xFFFFFFFF  }
0xad: {  	[dreg:$0x0] =	wrdreg $0x60  }
0xae: {  	[dreg:$0x2] =	wrdreg s2  }
0xaf: {  	[dreg:$0x3] =	wrdreg s24  }
0xb0: {  	[dreg:$0x4] =	wrdreg $0x52000  }
0xb1: {  	[dreg:$0x5] =	wrdreg $0x9  }
0xb2: {  	_ =	task.clear_ibuf [dreg:s7], $0x6FFFF;
	_ =	strace $0x90000049  }
0xb3: {  	s29 =	simm.s32 $0x9;
	_ =	strace $0x8000004B  }
0xb4: {  	_ =	swait.ge [sflag:s29], $0x1  }
0xb5: {  	[sflag:s29] =	ssyncadd.s32 $0xFFFFFFFF  }
0xb6: {  	_ =	strace $0x9000004B  }
0xb7: {  	_ =	sfence  }
0xb8: {  	s30 =	sld [smem:$0x0];
	_ =	sdelay $0x2  }
0xb9: {  	s31 =	sshll.u32 s1, $0xD;
	s1 =	sshrl.u32 s1, $0x2  }
0xba: {  	s3 =	sand.u32 $0x4000, s31;
	s1 =	sadd.s32 s1, s30  }
0xbb: {  	s0 =	sor.u32 s3, s0;
	s1 =	sshll.u32 s1, $0x11  }
0xbc: {  	s0 =	sor.u32 s1, s0  }
0xbd: {  	s0 =	sadd.s32 $0x8F2B, s0  }
0xbe: {  	[sflag:s0] =	ssyncadd.remote.s32 $0x1  }
0xbf: {  	_ =	sfence.sel $0xFFFF  }
0xc0: {  	[dreg:$0x0] =	wrdreg $0xFFFFFFFF;
	(pc) =	sbr.abs _section_cstart, $3  }
0xc1: {  	[dreg:$0x1] =	wrdreg $0xFFFFFFFF  }
0xc2: {  	_ =	task.clear_ibuf [dreg:s7], $0x2FFFF;
	_ =	strace $0x9FFFFFFF  }
0xc3: {  	(tm) =	ssettm $0x7FFFFFFF  }
tec
execute0_lowered:
.L_overlay_start_1:
0x0: {  	(tag) =	ssettag $0x1  }
0x1: {  	s2 =	rddreg [dreg:$0x0]  }
0x2: {  	s0 =	rddreg [dreg:$0x1]  }
0x3: {  	s3 =	rddreg [dreg:$0x2]  }
0x4: {  	s12 =	stileid.u32;
	s1 =	srdreg.scid  }
0x5: {  	s4 =	simm.s32 $0x0;
	s19 =	simm.s32 $0x5;
	s28 =	simm.s32 $0x2  }
0x6: {  	s29 =	simm.s32 $0x3;
	s30 =	simm.s32 $0x180;
	s31 =	simm.s32 $0x0  }
0x7: {  	s7 =	smul.u32 $0x13C00, s12;
	s1 =	sand.u32 $0x1, s1;
	[smem:$0x7FF] =	sst s4  }
0x8: {  	s5 =	sadd.s32 $0x88800, s0;
	s6 =	sadd.s32 $0x2000, s0;
	s10 =	smul.u32 $0x4F000, s12  }
0x9: {  	s11 =	sshll.u32 s12, $0xF;
	s23 =	sshll.u32 s12, $0x6;
	s8 =	smul.u32 $0x13C000, s1  }
0xa: {  	_ =	strace $0x8000004A;
	s20 =	ssub.s32 $0x2, s1;
	s1 =	sshll.u32 s1, $0xE  }
0xb: {  	s9 =	sshrl.u32 s7, $0x3;
	s21 =	sshrl.u32 s20, $0x1;
	s10 =	sshrl.u32 s10, $0x2  }
0xc: {  	s7 =	sadd.s32 s7, s8;
	s9 =	sadd.s32 s9, s0;
	s8 =	ssub.s32 s20, s21  }
0xd: {  	s18 =	sadd.s32 s10, s3;
	s20 =	simm.s32 $0x80;
	s21 =	simm.s32 $0x50  }
0xe: {  	s7 =	sshrl.u32 s7, $0x3;
	s22 =	sadd.s32 $0x12000, s9;
	s9 =	sor.u32 $0x1C05, s23  }
0xf: {  	s15 =	smax.u32 s8, $0x1;
	s18 =	sshrl.u32 s18, $0x3;
	s23 =	simm.s32 $0x100  }
0x10: {  	s0 =	sadd.s32 s7, s0;
	s7 =	sor.u32 s1, s11;
	[dreg:$0x4] =	wrdreg s22  }
0x11: {  	s22 =	simm.s32 $0x200;
	s16 =	sshrl.u32 s7, $0x3;
	s14 =	sadd.s32 $0x39800, s0  }
0x12: {  	s24 =	sadd.s32 s5, s16;
	s25 =	sor.u32 $0x10, s16;
	s11 =	sadd.s32 s6, s16  }
0x13: {  	s26 =	sor.u32 $0x7C0, s16;
	[dreg:$0x5] =	wrdreg s24;
	s12 =	sadd.s32 s5, s25  }
0x14: {  	s13 =	sadd.s32 s6, s25;
	s16 =	sadd.s32 s5, s26;
	s17 =	sadd.s32 s6, s26  }
0x15: {  	s24 =	simm.s32 $0x1;
	s25 =	simm.s32 $0x4;
	s26 =	simm.s32 $0x2A00  }
.LBB2_1:
0x16: {  	s0 =	rddreg [dreg:$0x4]  }
0x17: {  	[spmem:s18], [sflag:s9] =	dma.local [hbm:s0], $0x2780  }
0x18: {  	_ =	swait.ge [sflag:s19], $0x2780  }
0x19: {  	[sflag:s19] =	ssyncset.done $0x0  }
0x1a: {  	s1 =	rddreg [dreg:$0x5];
	[sflag:s19] =	ssyncadd.s32 $0xFFFFD880  }
0x1b: {  	[tilespmem:s4], [sflag:$0x5] =	stream.linear.gather [hbm4b:s1+s4], $0x80, $0x38;
	[tilespmem:$0x18E00] =	vst v63  }
0x1c: {  	_ =	swait.ge [sflag:s19], $0x80  }
0x1d: {  	[sflag:s19] =	ssyncset.done $0x0  }
0x1e: {  	[sflag:s19] =	ssyncadd.s32 $0xFFFFFF80  }
0x1f: {  	[tilespmem:s20], [sflag:$0x5] =	stream.linear.gather [hbm4b:s11+s4], $0x80, $0x38;
	[tilespmem:$0x18E00] =	vst v63  }
0x20: {  	_ =	swait.ge [sflag:s19], $0x80  }
0x21: {  	[sflag:s19] =	ssyncset.done $0x0  }
0x22: {  	[sflag:s19] =	ssyncadd.s32 $0xFFFFFF80  }
0x23: {  	[bflag:$0x0] =	sbarrier.arrive $0xFFFF  }
0x24: {  	[tilespmem:s22], [sflag:$0x1] =	stream.indirect.gather [hbm4b:s2+s21], $0x80, s4, s21, $0xb8;
	[tilespmem:$0x18E00] =	vst v63  }
0x25: {  	_ = 	snop  }
0x26: {  	[tilespmem:s23], [sflag:$0x4] =	stream.linear.gather [hbm4b:s12+s4], $0x80, $0x38;
	[tilespmem:$0x18E00] =	vst v63  }
0x27: {  	_ = 	snop  }
0x28: {  	[tilespmem:s30], [sflag:$0x4] =	stream.linear.gather [hbm4b:s13+s4], $0x80, $0x38;
	[tilespmem:$0x18E00] =	vst v63  }
0x29: {  	_ =	swait.ge [sflag:s24], $0x2800  }
0x2a: {  	[sflag:s24] =	ssyncset.done $0x0  }
0x2b: {  	[sflag:s24] =	ssyncadd.s32 $0xFFFFD800  }
0x2c: {  	_ =	swait.ge [sflag:s25], $0x80  }
0x2d: {  	[sflag:s25] =	ssyncset.done $0x0  }
0x2e: {  	[sflag:s25] =	ssyncadd.s32 $0xFFFFFF80  }
0x2f: {  	_ =	swait.ge [sflag:s25], $0x80  }
0x30: {  	s8 =	simm.s32 $0x100;
	[sflag:s25] =	ssyncset.done $0x0  }
0x31: {  	s1 =	sand.u32 $0x7C00, s8;
	[sflag:s25] =	ssyncadd.s32 $0xFFFFFF80  }
0x32: {  	[tilespmem:s26], [sflag:$0x2] =	stream.indirect.gather [hbm4b:s2+s21], $0x80, s23, s21, $0xb8;
	[tilespmem:$0x18E00] =	vst v63  }
0x33: {  	s0 =	sand.u32 $0x300, s8;
	s1 =	sadd.s32 s7, s1  }
0x34: {  	[spmem:s3] =	stream.indirect.scatter.add.f32 [tilespmem:s22], [sflag:$0x5], $0x80, s20, s21, $0xb8;
	[tilespmem:$0x18E00] =	vst v63  }
0x35: {  	s0 =	sor.u32 s0, s1;
	_ =	swait.ge [sflag:s19], $0x2800  }
0x36: {  	s0 =	sshrl.u32 s0, $0x3;
	[sflag:s19] =	ssyncset.done $0x0  }
0x37: {  	s10 =	sadd.s32 s5, s0;
	[sflag:s19] =	ssyncadd.s32 $0xFFFFD800  }
0x38: {  	[tilespmem:s4], [sflag:$0x3] =	stream.linear.gather [hbm4b:s10+s4], $0x80, $0x38;
	[tilespmem:$0x18E00] =	vst v63  }
0x39: {  	s0 =	sadd.s32 s6, s0  }
0x3a: {  	[tilespmem:s20], [sflag:$0x3] =	stream.linear.gather [hbm4b:s0+s4], $0x80, $0x38;
	[tilespmem:$0x18E00] =	vst v63  }
0x3b: {  	_ =	swait.ge [sflag:s28], $0x2800  }
0x3c: {  	[sflag:s28] =	ssyncset.done $0x0  }
0x3d: {  	[sflag:s28] =	ssyncadd.s32 $0xFFFFD800  }
0x3e: {  	_ =	swait.ge [sflag:s29], $0x80  }
0x3f: {  	[sflag:s29] =	ssyncset.done $0x0  }
0x40: {  	[sflag:s29] =	ssyncadd.s32 $0xFFFFFF80  }
0x41: {  	_ =	swait.ge [sflag:s29], $0x80  }
0x42: {  	[sflag:s29] =	ssyncset.done $0x0  }
0x43: {  	s8 =	sand.u32 $0x7C00, s30;
	[sflag:s29] =	ssyncadd.s32 $0xFFFFFF80  }
0x44: {  	[tilespmem:s22], [sflag:$0x1] =	stream.indirect.gather [hbm4b:s2+s21], $0x80, s4, s21, $0xb8;
	[tilespmem:$0x18E00] =	vst v63  }
0x45: {  	s10 =	sand.u32 $0x380, s30;
	s0 =	sadd.s32 s7, s8  }
0x46: {  	[spmem:s3] =	stream.indirect.scatter.add.f32 [tilespmem:s26], [sflag:$0x5], $0x80, s30, s21, $0xb8;
	[tilespmem:$0x18E00] =	vst v63  }
0x47: {  	s0 =	sor.u32 s10, s0;
	_ =	swait.ge [sflag:s19], $0x2800  }
0x48: {  	s1 =	sshrl.u32 s0, $0x3;
	[sflag:s19] =	ssyncset.done $0x0  }
0x49: {  	s0 =	sadd.s32 s5, s1;
	[sflag:s19] =	ssyncadd.s32 $0xFFFFD800  }
0x4a: {  	[tilespmem:s23], [sflag:$0x4] =	stream.linear.gather [hbm4b:s0+s4], $0x80, $0x38;
	[tilespmem:$0x18E00] =	vst v63  }
0x4b: {  	s8 =	sadd.s32 s6, s1;
	s0 =	simm.s32 $0x280  }
.LBB2_2:
0x4c: {  	p0 =	sne.s32 s0, $0x3D80;
	s1 =	smov.u32 s0;
	s0 =	sadd.s32 $0x100, s0  }
0x4d: {  	[tilespmem:s30], [sflag:$0x4] =	stream.linear.gather [hbm4b:s8+s4], $0x80, $0x38;
	[tilespmem:$0x18E00] =	vst v63  }
0x4e: {  	_ =	swait.ge [sflag:s24], $0x2800  }
0x4f: {  	[sflag:s24] =	ssyncset.done $0x0  }
0x50: {  	[sflag:s24] =	ssyncadd.s32 $0xFFFFD800  }
0x51: {  	_ =	swait.ge [sflag:s25], $0x80  }
0x52: {  	[sflag:s25] =	ssyncset.done $0x0  }
0x53: {  	[sflag:s25] =	ssyncadd.s32 $0xFFFFFF80  }
0x54: {  	_ =	swait.ge [sflag:s25], $0x80  }
0x55: {  	[sflag:s25] =	ssyncset.done $0x0  }
0x56: {  	s8 =	sadd.s32 $0xFFFFFF80, s1;
	[sflag:s25] =	ssyncadd.s32 $0xFFFFFF80  }
0x57: {  	[tilespmem:s26], [sflag:$0x2] =	stream.indirect.gather [hbm4b:s2+s21], $0x80, s23, s21, $0xb8;
	[tilespmem:$0x18E00] =	vst v63  }
0x58: {  	s10 =	sand.u32 $0x7C00, s8;
	s8 =	sand.u32 $0x300, s8  }
0x59: {  	[spmem:s3] =	stream.indirect.scatter.add.f32 [tilespmem:s22], [sflag:$0x5], $0x80, s20, s21, $0xb8;
	[tilespmem:$0x18E00] =	vst v63  }
0x5a: {  	s10 =	sadd.s32 s7, s10;
	_ =	swait.ge [sflag:s19], $0x2800  }
0x5b: {  	s8 =	sor.u32 s8, s10;
	[sflag:s19] =	ssyncset.done $0x0  }
0x5c: {  	s8 =	sshrl.u32 s8, $0x3;
	[sflag:s19] =	ssyncadd.s32 $0xFFFFD800  }
0x5d: {  	s10 =	sadd.s32 s5, s8;
	s8 =	sadd.s32 s6, s8  }
0x5e: {  	[tilespmem:s4], [sflag:$0x3] =	stream.linear.gather [hbm4b:s10+s4], $0x80, $0x38;
	[tilespmem:$0x18E00] =	vst v63  }
0x5f: {  	_ = 	snop  }
0x60: {  	[tilespmem:s20], [sflag:$0x3] =	stream.linear.gather [hbm4b:s8+s4], $0x80, $0x38;
	[tilespmem:$0x18E00] =	vst v63  }
0x61: {  	_ =	swait.ge [sflag:s28], $0x2800  }
0x62: {  	[sflag:s28] =	ssyncset.done $0x0  }
0x63: {  	[sflag:s28] =	ssyncadd.s32 $0xFFFFD800  }
0x64: {  	_ =	swait.ge [sflag:s29], $0x80  }
0x65: {  	[sflag:s29] =	ssyncset.done $0x0  }
0x66: {  	[sflag:s29] =	ssyncadd.s32 $0xFFFFFF80  }
0x67: {  	_ =	swait.ge [sflag:s29], $0x80  }
0x68: {  	[sflag:s29] =	ssyncset.done $0x0  }
0x69: {  	s8 =	sand.u32 $0x7C00, s1;
	[sflag:s29] =	ssyncadd.s32 $0xFFFFFF80  }
0x6a: {  	[tilespmem:s22], [sflag:$0x1] =	stream.indirect.gather [hbm4b:s2+s21], $0x80, s4, s21, $0xb8;
	[tilespmem:$0x18E00] =	vst v63  }
0x6b: {  	s1 =	sand.u32 $0x380, s1;
	s8 =	sadd.s32 s7, s8  }
0x6c: {  	[spmem:s3] =	stream.indirect.scatter.add.f32 [tilespmem:s26], [sflag:$0x5], $0x80, s30, s21, $0xb8;
	[tilespmem:$0x18E00] =	vst v63  }
.Ltmp0:
0x6d: {  	_ = 	snop;
	(pc) =	sbr.rel @p0 .LBB2_2-.Ltmp0, $4  }
0x6e: {  	s1 =	sor.u32 s1, s8;
	_ =	swait.ge [sflag:s19], $0x2800  }
0x6f: {  	s1 =	sshrl.u32 s1, $0x3;
	[sflag:s19] =	ssyncset.done $0x0  }
0x70: {  	s10 =	sadd.s32 s5, s1;
	s8 =	sadd.s32 s6, s1;
	[sflag:s19] =	ssyncadd.s32 $0xFFFFD800  }
0x71: {  	[tilespmem:s23], [sflag:$0x4] =	stream.linear.gather [hbm4b:s10+s4], $0x80, $0x38;
	[tilespmem:$0x18E00] =	vst v63  }
0x72: {  	[tilespmem:s30], [sflag:$0x4] =	stream.linear.gather [hbm4b:s8+s4], $0x80, $0x38;
	[tilespmem:$0x18E00] =	vst v63  }
0x73: {  	_ =	swait.ge [sflag:s24], $0x2800  }
0x74: {  	[sflag:s24] =	ssyncset.done $0x0  }
0x75: {  	[sflag:s24] =	ssyncadd.s32 $0xFFFFD800  }
0x76: {  	_ =	swait.ge [sflag:s25], $0x80  }
0x77: {  	[sflag:s25] =	ssyncset.done $0x0  }
0x78: {  	[sflag:s25] =	ssyncadd.s32 $0xFFFFFF80  }
0x79: {  	_ =	swait.ge [sflag:s25], $0x80  }
0x7a: {  	[sflag:s25] =	ssyncset.done $0x0  }
0x7b: {  	[sflag:s25] =	ssyncadd.s32 $0xFFFFFF80  }
0x7c: {  	[tilespmem:s26], [sflag:$0x2] =	stream.indirect.gather [hbm4b:s2+s21], $0x80, s23, s21, $0xb8;
	[tilespmem:$0x18E00] =	vst v63  }
0x7d: {  	_ = 	snop  }
0x7e: {  	[spmem:s3] =	stream.indirect.scatter.add.f32 [tilespmem:s22], [sflag:$0x5], $0x80, s20, s21, $0xb8;
	[tilespmem:$0x18E00] =	vst v63  }
0x7f: {  	_ =	swait.ge [sflag:s19], $0x2800  }
0x80: {  	[sflag:s19] =	ssyncset.done $0x0  }
0x81: {  	[sflag:s19] =	ssyncadd.s32 $0xFFFFD800  }
0x82: {  	[tilespmem:s4], [sflag:$0x3] =	stream.linear.gather [hbm4b:s16+s4], $0x80, $0x38;
	[tilespmem:$0x18E00] =	vst v63  }
0x83: {  	_ = 	snop  }
0x84: {  	[tilespmem:s20], [sflag:$0x3] =	stream.linear.gather [hbm4b:s17+s4], $0x80, $0x38;
	[tilespmem:$0x18E00] =	vst v63  }
0x85: {  	_ =	swait.ge [sflag:s28], $0x2800  }
0x86: {  	[sflag:s28] =	ssyncset.done $0x0  }
0x87: {  	[sflag:s28] =	ssyncadd.s32 $0xFFFFD800  }
0x88: {  	_ =	swait.ge [sflag:s29], $0x80  }
0x89: {  	[sflag:s29] =	ssyncset.done $0x0  }
0x8a: {  	[sflag:s29] =	ssyncadd.s32 $0xFFFFFF80  }
0x8b: {  	_ =	swait.ge [sflag:s29], $0x80  }
0x8c: {  	[sflag:s29] =	ssyncset.done $0x0  }
0x8d: {  	[sflag:s29] =	ssyncadd.s32 $0xFFFFFF80  }
0x8e: {  	[tilespmem:s22], [sflag:$0x1] =	stream.indirect.gather [hbm4b:s2+s21], $0x80, s4, s21, $0xb8;
	[tilespmem:$0x18E00] =	vst v63  }
0x8f: {  	_ = 	snop  }
0x90: {  	[spmem:s3] =	stream.indirect.scatter.add.f32 [tilespmem:s26], [sflag:$0x5], $0x80, s30, s21, $0xb8;
	[tilespmem:$0x18E00] =	vst v63  }
0x91: {  	_ =	swait.ge [sflag:s19], $0x2800  }
0x92: {  	[sflag:s19] =	ssyncset.done $0x0  }
0x93: {  	[sflag:s19] =	ssyncadd.s32 $0xFFFFD800  }
0x94: {  	_ =	swait.ge [sflag:s24], $0x2800  }
0x95: {  	[sflag:s24] =	ssyncset.done $0x0  }
0x96: {  	[sflag:s24] =	ssyncadd.s32 $0xFFFFD800  }
0x97: {  	[spmem:s3] =	stream.indirect.scatter.add.f32 [tilespmem:s22], [sflag:$0x5], $0x80, s20, s21, $0xb8;
	[tilespmem:$0x18E00] =	vst v63  }
0x98: {  	_ =	swait.ge [sflag:s19], $0x2800  }
0x99: {  	s31 =	sadd.s32 $0x1, s31;
	[sflag:s19] =	ssyncset.done $0x0  }
0x9a: {  	p0 =	sne.s32 s31, s15;
	[sflag:s19] =	ssyncadd.s32 $0xFFFFD800  }
.Ltmp1:
0x9b: {  	[bflag:$0x0] =	sbarrier.arrive $0xFFFF;
	(pc) =	sbr.rel @p0 .LBB2_1-.Ltmp1, $4  }
0x9c: {  	[hbm:s14], [sflag:s9] =	dma.local [spmem:s18], $0x2780  }
0x9d: {  	_ =	swait.ge [sflag:s19], $0x2780  }
0x9e: {  	[sflag:s19] =	ssyncset.done $0x0  }
0x9f: {  	[sflag:s19] =	ssyncadd.s32 $0xFFFFD880  }
0xa0: {  	_ =	sfence.sel $0x180000  }
0xa1: {  	[bflag:$0x0] =	sbarrier.arrive $0xFFFF  }
0xa2: {  	_ =	strace $0x9000004A  }
0xa3: {  	s0 =	stileid.u32;
	[bflag:$0x2] =	sbarrier.arrive $0xFFFF  }
0xa4: {  	p0 =	sne.s32 s0, $0x0;
	s0 =	rddreg [dreg:$0x3]  }
0xa5: {  	s0 =	sadd.s32 @!p0 $0x100000, s0  }
0xa6: {  	[sflag:s0] =	ssyncadd.tile.s32 @!p0 $0x1;
	_ =	shalt  }
.Lfunc_end2:
_tile_overlayer_lowered:
.L_overlay_start_2:
0xa7: {  	(tag) =	ssettag $0x2  }
0xa8: {  	s0 =	rddreg [dreg:$0x0];
	s2 =	stileid.u32  }
0xa9: {  	s1 =	rddreg [dreg:$0x1];
	p0 =	sne.s32 s2, $0x0  }
0xaa: {  	s3 =	rddreg [dreg:$0x2];
	[bflag:$0x3] =	sbarrier.arrive $0xFFFF;
	s2 =	simm.s32 @!p0 $0x1C05  }
0xab: {  	[timem:s3], [sflag:s2] =	dma.local @!p0 [hbm:s0], s1  }
0xac: {  	s0 =	simm.s32 @!p0 $0x5  }
0xad: {  	_ =	swait.ge @!p0 [sflag:s0], s1  }
0xae: {  	s1 =	ssub.s32 @!p0 $0x0, s1;
	[sflag:s0] =	ssyncset.done @!p0 $0x0  }
0xaf: {  	[sflag:s0] =	ssyncadd.s32 @!p0 s1  }
0xb0: {  	[bflag:$0x3] =	sbarrier.arrive $0xFFFF  }
0xb1: {  	_ =	shalt  }

// kernel: kernel.14.cloned.1.call-start
scs
__scs_entry_jumppad:
0x0: {  	(pc) =	sbr.rel $0x88, $3  }
0x1: {  	(tag) =	ssettag $0x0;
	lr =	simm.s32 $0x1  }
0x2: {  	[smem:$0x3F9B] =	sst lr;
	_ =	strace $0xD0000000  }
0x3: {  	_ = 	snop  }
0x4: {  	_ = 	snop  }
0x5: {  	_ = 	snop  }
0x6: {  	_ = 	snop  }
0x7: {  	_ = 	snop  }
__scs_overlays_trampoline_lowered:
0x8: {  	[smem:$0x3FAA] =	sst s0  }
0x9: {  	[smem:$0x3FAB] =	sst s1  }
0xa: {  	[smem:$0x3FAC] =	sst s2  }
0xb: {  	[smem:$0x3FAD] =	sst s3  }
0xc: {  	[smem:$0x3FAE] =	sst s4  }
0xd: {  	[smem:$0x3FAF] =	sst s5  }
0xe: {  	[smem:$0x3FB0] =	sst s6  }
0xf: {  	[smem:$0x3FB1] =	sst s7  }
0x10: {  	[smem:$0x3FB2] =	sst s8  }
0x11: {  	[smem:$0x3FB3] =	sst s9;
	s0 =	simm.s32 @!p0 $0x0  }
0x12: {  	s1 =	sld [smem:$0x3F99];
	s0 =	simm.s32 @p0 $0x1  }
0x13: {  	[smem:$0x3FB4] =	sst s0;
	s0 =	simm.s32 @!p1 $0x0  }
0x14: {  	s2 =	sld [smem:$0x3F98];
	s0 =	simm.s32 @p1 $0x1  }
0x15: {  	[smem:$0x3FB5] =	sst s0;
	s0 =	simm.s32 @!p2 $0x0  }
0x16: {  	s3 =	sld [smem:$0x3FDB];
	s0 =	simm.s32 @p2 $0x1  }
0x17: {  	s4 =	simm.s32 $0x1BF5;
	[smem:$0x3FB7] =	sst s0  }
0x18: {  	s0 =	sld [smem:$0x3F9A];
	_ =	swait.ge [sflag:s4], $0x0  }
0x19: {  	s7 =	sld [smem:$0x3F9B]  }
0x1a: {  	s8 =	sadd.s32 $0xFFFFE003, lr  }
0x1b: {  	s9 =	sadd.s32 $0xFFFFFEF7, lr;
	s5 =	simm.s32 $0xFFFFFFFF;
	p2 =	slt.u32 s8, $0xFFFFF086  }
0x1c: {  	p1 =	slt.u32 s9, $0xF7A;
	s5 =	simm.s32 @!p2 $0x0  }
0x1d: {  	s5 =	simm.s32 @p1 $0x1;
	p0 =	seq.s32 s7, s2  }
0x1e: {  	s7 =	smul.u32 @!p0 $0xF7A, s2;
	p2 =	seq.s32 @!p0 s5, $0x0  }
0x1f: {  	s9 =	smul.u32 $0xF7A, s1;
	s8 =	simm.s32 @!p0 $0x1BF5;
	p2 =	por !p2, p0  }
0x20: {  	[sflag:s8] =	ssyncset.s32 @!p0 $0xFFFFF086;
	s6 =	sadd.s32 @!p0 s3, s7;
	s7 =	simm.s32 @!p0 $0x108  }
0x21: {  	s3 =	sadd.s32 s3, s9;
	s6 =	sadd.s32 @!p0 $0x88, s6;
	s7 =	simm.s32 @p2 $0x1082  }
0x22: {  	[simem:s7], [sflag:s8] =	dma.local @!p0 [hbm:s6], $0xF7A  }
0x23: {  	s9 =	sor.u32 $0xD0000000, s2;
	s6 =	simm.s32 $0x108;
	_ =	swait.ge @!p0 [sflag:s8], $0x0  }
0x24: {  	s3 =	sadd.s32 $0x88, s3;
	s6 =	simm.s32 @!p1 $0x1082;
	[sflag:s4] =	ssyncset.s32 $0xFFFFF086  }
0x25: {  	[simem:s6], [sflag:s4] =	dma.local [hbm:s3], $0xF7A  }
0x26: {  	[smem:$0x3F9B] =	sst s1;
	(tag) =	ssettag s2;
	_ =	strace s9  }
0x27: {  	s1 =	sld [smem:$0x3FAB]  }
0x28: {  	s2 =	sld [smem:$0x3FAC]  }
0x29: {  	s4 =	sld [smem:$0x3FAE]  }
0x2a: {  	p0 =	seq.s32 s5, $0x0;
	s5 =	sld [smem:$0x3FAF]  }
0x2b: {  	s6 =	sld [smem:$0x3FB0]  }
0x2c: {  	s7 =	sld [smem:$0x3FB1]  }
0x2d: {  	s3 =	simm.s32 $0x108;
	s8 =	sld [smem:$0x3FB2]  }
0x2e: {  	s3 =	simm.s32 @!p0 $0x1082;
	s9 =	sld [smem:$0x3FB3]  }
0x2f: {  	lr =	sadd.s32 s0, s3;
	s0 =	sld [smem:$0x3FAA]  }
0x30: {  	s3 =	sld [smem:$0x3FAD]  }
0x31: {  	[smem:$0x3FB6] =	sst s10  }
0x32: {  	s10 =	sld [smem:$0x3FB4];
	_ =	sdelay $0x3  }
0x33: {  	p0 =	seq.s32 s10, $0x1;
	s10 =	sld [smem:$0x3FB6];
	_ =	sdelay $0x3  }
0x34: {  	[smem:$0x3FB6] =	sst s10  }
0x35: {  	s10 =	sld [smem:$0x3FB5];
	_ =	sdelay $0x3  }
0x36: {  	p1 =	seq.s32 s10, $0x1;
	s10 =	sld [smem:$0x3FB6];
	_ =	sdelay $0x3  }
0x37: {  	[smem:$0x3FB6] =	sst s10  }
0x38: {  	s10 =	sld [smem:$0x3FB7]  }
0x39: {  	_ = 	snop;
	(pc) =	sbr.ind lr, $3  }
0x3a: {  	_ = 	snop  }
0x3b: {  	_ = 	snop  }
0x3c: {  	p2 =	seq.s32 s10, $0x1;
	s10 =	sld [smem:$0x3FB6]  }
0x3d: {  	_ =	shalt  }
0x3e: {  	_ =	shalt  }
0x3f: {  	_ =	shalt  }
0x40: {  	_ =	shalt  }
0x41: {  	_ =	shalt  }
0x42: {  	_ =	shalt  }
0x43: {  	_ =	shalt  }
0x44: {  	_ =	shalt  }
0x45: {  	_ =	shalt  }
0x46: {  	_ =	shalt  }
0x47: {  	_ =	shalt  }
0x48: {  	_ =	shalt  }
0x49: {  	_ =	shalt  }
0x4a: {  	_ =	shalt  }
0x4b: {  	_ =	shalt  }
0x4c: {  	_ =	shalt  }
0x4d: {  	_ =	shalt  }
0x4e: {  	_ =	shalt  }
0x4f: {  	_ =	shalt  }
0x50: {  	_ =	shalt  }
0x51: {  	_ =	shalt  }
0x52: {  	_ =	shalt  }
0x53: {  	_ =	shalt  }
0x54: {  	_ =	shalt  }
0x55: {  	_ =	shalt  }
0x56: {  	_ =	shalt  }
0x57: {  	_ =	shalt  }
0x58: {  	_ =	shalt  }
0x59: {  	_ =	shalt  }
0x5a: {  	_ =	shalt  }
0x5b: {  	_ =	shalt  }
0x5c: {  	_ =	shalt  }
0x5d: {  	_ =	shalt  }
0x5e: {  	_ =	shalt  }
0x5f: {  	_ =	shalt  }
0x60: {  	_ =	shalt  }
0x61: {  	_ =	shalt  }
0x62: {  	_ =	shalt  }
0x63: {  	_ =	shalt  }
0x64: {  	_ =	shalt  }
0x65: {  	_ =	shalt  }
0x66: {  	_ =	shalt  }
0x67: {  	_ =	shalt  }
0x68: {  	_ =	shalt  }
0x69: {  	_ =	shalt  }
0x6a: {  	_ =	shalt  }
0x6b: {  	_ =	shalt  }
0x6c: {  	_ =	shalt  }
0x6d: {  	_ =	shalt  }
0x6e: {  	_ =	shalt  }
0x6f: {  	_ =	shalt  }
0x70: {  	_ =	shalt  }
0x71: {  	_ =	shalt  }
0x72: {  	_ =	shalt  }
0x73: {  	_ =	shalt  }
0x74: {  	_ =	shalt  }
0x75: {  	_ =	shalt  }
0x76: {  	_ =	shalt  }
0x77: {  	_ =	shalt  }
0x78: {  	_ =	shalt  }
0x79: {  	_ =	shalt  }
0x7a: {  	_ =	shalt  }
0x7b: {  	_ =	shalt  }
0x7c: {  	_ =	shalt  }
0x7d: {  	_ =	shalt  }
0x7e: {  	_ =	shalt  }
0x7f: {  	_ =	shalt  }
0x80: {  	_ =	shalt  }
0x81: {  	_ =	shalt  }
0x82: {  	_ =	shalt  }
0x83: {  	_ =	shalt  }
0x84: {  	_ =	shalt  }
0x85: {  	_ =	shalt  }
0x86: {  	_ =	shalt  }
0x87: {  	_ =	shalt  }
.Lfunc_end0:
.L_simem_size_0:
called_computation.2_lowered:
.L_overlay_start_0:
0x88: {  	s2 =	sld [smem:$0x3FD9]  }
0x89: {  	s3 =	sld [smem:$0x3FFE];
	_ =	sdelay $0x1  }
0x8a: {  	s1 =	srdreg.scid  }
0x8b: {  	s0 =	sand.u32 $0x1, s1  }
0x8c: {  	s17 =	sshll.u32 s0, $0xA;
	s2 =	sadd.s32 s3, s2  }
0x8d: {  	s2 =	sadd.s32 s2, s17  }
0x8e: {  	[smem:$0x3FC2] =	sst s2  }
0x8f: {  	_ = 	snop  }
0x90: {  	s2 =	sld [smem:$0x3FD0];
	(tm) =	ssettm $0x1  }
0x91: {  	s18 =	sld [smem:$0x3FFB];
	_ =	sdelay $0x3  }
0x92: {  	_ =	strace s18  }
0x93: {  	s3 =	sld [smem:$0x3FFC];
	_ =	sdelay $0x3  }
0x94: {  	_ =	strace s3  }
0x95: {  	s3 =	sld [smem:$0x3FFD];
	_ =	sdelay $0x3  }
0x96: {  	_ =	strace s3  }
0x97: {  	_ =	strace $0x8FFFFFFF  }
0x98: {  	s19 =	sld [smem:$0x3FDB];
	_ =	sdelay $0x1  }
0x99: {  	s4 =	simm.s32 $_scs_section_size  }
0x9a: {  	s5 =	simm.s32 $_size__tile_overlayer_lowered;
	s6 =	simm.s32 $_tile_overlayer_lowered  }
0x9b: {  	s22 =	simm.s32 $0x1BFF;
	s21 =	sshll.u32 s6, $0x1;
	s3 =	sadd.s32 s4, s19  }
0x9c: {  	s7 =	simm.s32 $0x0;
	s20 =	sshll.u32 s5, $0x1;
	s5 =	sadd.s32 s21, s3  }
0x9d: {  	[timem:s7], [sflag:s22] =	dma.local [hbm:s5], s20  }
0x9e: {  	_ =	swait.ge [sflag:s22], s20  }
0x9f: {  	s4 =	ssub.s32 $0x0, s20;
	[sflag:s22] =	ssyncset.done $0x0  }
0xa0: {  	[sflag:s22] =	ssyncadd.s32 s4;
	_ =	sdelay $0x1  }
0xa1: {  	s23 =	simm.s32 $0x1B8B  }
0xa2: {  	_ =	swait.ge [sflag:s23], $0x1  }
0xa3: {  	[sflag:s23] =	ssyncset.done $0x0  }
0xa4: {  	s25 =	simm.s32 $0x1B8E;
	s24 =	sld [smem:$0x3FFE];
	[sflag:s23] =	ssyncadd.s32 $0xFFFFFFFF  }
0xa5: {  	s26 =	simm.s32 $execute0_lowered;
	[smem:$0x3FD2] =	sst s25  }
0xa6: {  	s5 =	sshll.u32 s26, $0x1;
	_ =	strace $0x8000004C;
	[dreg:$0x1] =	wrdreg $0xFFFFFFFF  }
0xa7: {  	s28 =	simm.s32 $_size_execute0_lowered;
	s3 =	sadd.s32 s3, s5;
	[dreg:$0x0] =	wrdreg $0x0  }
0xa8: {  	s5 =	sshll.u32 s28, $0x1;
	[dreg:$0x2] =	wrdreg s3  }
0xa9: {  	[dreg:$0x3] =	wrdreg s5  }
0xaa: {  	[dreg:$0x4] =	wrdreg $0xC0  }
0xab: {  	_ =	task [dreg:s7], $0x5FFFF  }
0xac: {  	[dreg:$0x1] =	wrdreg $0xFFFFFFFF  }
0xad: {  	[dreg:$0x0] =	wrdreg $0x60  }
0xae: {  	[dreg:$0x2] =	wrdreg s2  }
0xaf: {  	[dreg:$0x3] =	wrdreg s24  }
0xb0: {  	[dreg:$0x4] =	wrdreg $0x52000  }
0xb1: {  	[dreg:$0x5] =	wrdreg $0x9  }
0xb2: {  	_ =	task.clear_ibuf [dreg:s7], $0x6FFFF;
	_ =	strace $0x9000004C  }
0xb3: {  	s29 =	simm.s32 $0x9;
	_ =	strace $0x8000004E  }
0xb4: {  	_ =	swait.ge [sflag:s29], $0x1  }
0xb5: {  	[sflag:s29] =	ssyncadd.s32 $0xFFFFFFFF  }
0xb6: {  	_ =	strace $0x9000004E  }
0xb7: {  	_ =	sfence  }
0xb8: {  	s30 =	sld [smem:$0x0];
	_ =	sdelay $0x2  }
0xb9: {  	s31 =	sshll.u32 s1, $0xD;
	s1 =	sshrl.u32 s1, $0x2  }
0xba: {  	s3 =	sand.u32 $0x4000, s31;
	s1 =	sadd.s32 s1, s30  }
0xbb: {  	s0 =	sor.u32 s3, s0;
	s1 =	sshll.u32 s1, $0x11  }
0xbc: {  	s0 =	sor.u32 s1, s0  }
0xbd: {  	s0 =	sadd.s32 $0x8F2B, s0  }
0xbe: {  	[sflag:s0] =	ssyncadd.remote.s32 $0x1  }
0xbf: {  	_ =	sfence.sel $0xFFFF  }
0xc0: {  	[dreg:$0x0] =	wrdreg $0xFFFFFFFF;
	(pc) =	sbr.abs _section_cstart, $3  }
0xc1: {  	[dreg:$0x1] =	wrdreg $0xFFFFFFFF  }
0xc2: {  	_ =	task.clear_ibuf [dreg:s7], $0x2FFFF;
	_ =	strace $0x9FFFFFFF  }
0xc3: {  	(tm) =	ssettm $0x7FFFFFFF  }
tec
execute0_lowered:
.L_overlay_start_1:
0x0: {  	(tag) =	ssettag $0x1  }
0x1: {  	s2 =	rddreg [dreg:$0x0]  }
0x2: {  	s0 =	rddreg [dreg:$0x1]  }
0x3: {  	s3 =	rddreg [dreg:$0x2]  }
0x4: {  	s12 =	stileid.u32;
	s1 =	srdreg.scid  }
0x5: {  	s4 =	simm.s32 $0x0;
	s19 =	simm.s32 $0x5;
	s28 =	simm.s32 $0x2  }
0x6: {  	s29 =	simm.s32 $0x3;
	s30 =	simm.s32 $0x180;
	s31 =	simm.s32 $0x0  }
0x7: {  	s7 =	smul.u32 $0x13C00, s12;
	s1 =	sand.u32 $0x1, s1;
	[smem:$0x7FF] =	sst s4  }
0x8: {  	s5 =	sadd.s32 $0x88800, s0;
	s6 =	sadd.s32 $0x2000, s0;
	s10 =	smul.u32 $0x4F000, s12  }
0x9: {  	s11 =	sshll.u32 s12, $0xF;
	s23 =	sshll.u32 s12, $0x6;
	s8 =	smul.u32 $0x13C000, s1  }
0xa: {  	_ =	strace $0x8000004D;
	s20 =	ssub.s32 $0x2, s1;
	s1 =	sshll.u32 s1, $0xE  }
0xb: {  	s9 =	sshrl.u32 s7, $0x3;
	s21 =	sshrl.u32 s20, $0x1;
	s10 =	sshrl.u32 s10, $0x2  }
0xc: {  	s7 =	sadd.s32 s7, s8;
	s9 =	sadd.s32 s9, s0;
	s8 =	ssub.s32 s20, s21  }
0xd: {  	s18 =	sadd.s32 s10, s3;
	s20 =	simm.s32 $0x80;
	s21 =	simm.s32 $0x50  }
0xe: {  	s7 =	sshrl.u32 s7, $0x3;
	s22 =	sadd.s32 $0x12000, s9;
	s9 =	sor.u32 $0x1C05, s23  }
0xf: {  	s15 =	smax.u32 s8, $0x1;
	s18 =	sshrl.u32 s18, $0x3;
	s23 =	simm.s32 $0x100  }
0x10: {  	s0 =	sadd.s32 s7, s0;
	s7 =	sor.u32 s1, s11;
	[dreg:$0x4] =	wrdreg s22  }
0x11: {  	s22 =	simm.s32 $0x200;
	s16 =	sshrl.u32 s7, $0x3;
	s14 =	sadd.s32 $0x39800, s0  }
0x12: {  	s24 =	sadd.s32 s5, s16;
	s25 =	sor.u32 $0x10, s16;
	s11 =	sadd.s32 s6, s16  }
0x13: {  	s26 =	sor.u32 $0x7C0, s16;
	[dreg:$0x5] =	wrdreg s24;
	s12 =	sadd.s32 s5, s25  }
0x14: {  	s13 =	sadd.s32 s6, s25;
	s16 =	sadd.s32 s5, s26;
	s17 =	sadd.s32 s6, s26  }
0x15: {  	s24 =	simm.s32 $0x1;
	s25 =	simm.s32 $0x4;
	s26 =	simm.s32 $0x2A00  }
.LBB2_1:
0x16: {  	s0 =	rddreg [dreg:$0x4]  }
0x17: {  	[spmem:s18], [sflag:s9] =	dma.local [hbm:s0], $0x2780  }
0x18: {  	_ =	swait.ge [sflag:s19], $0x2780  }
0x19: {  	[sflag:s19] =	ssyncset.done $0x0  }
0x1a: {  	s1 =	rddreg [dreg:$0x5];
	[sflag:s19] =	ssyncadd.s32 $0xFFFFD880  }
0x1b: {  	[tilespmem:s4], [sflag:$0x5] =	stream.linear.gather [hbm4b:s1+s4], $0x80, $0x38;
	[tilespmem:$0x18E00] =	vst v63  }
0x1c: {  	_ =	swait.ge [sflag:s19], $0x80  }
0x1d: {  	[sflag:s19] =	ssyncset.done $0x0  }
0x1e: {  	[sflag:s19] =	ssyncadd.s32 $0xFFFFFF80  }
0x1f: {  	[tilespmem:s20], [sflag:$0x5] =	stream.linear.gather [hbm4b:s11+s4], $0x80, $0x38;
	[tilespmem:$0x18E00] =	vst v63  }
0x20: {  	_ =	swait.ge [sflag:s19], $0x80  }
0x21: {  	[sflag:s19] =	ssyncset.done $0x0  }
0x22: {  	[sflag:s19] =	ssyncadd.s32 $0xFFFFFF80  }
0x23: {  	[bflag:$0x0] =	sbarrier.arrive $0xFFFF  }
0x24: {  	[tilespmem:s22], [sflag:$0x1] =	stream.indirect.gather [hbm4b:s2+s21], $0x80, s4, s21, $0xb8;
	[tilespmem:$0x18E00] =	vst v63  }
0x25: {  	_ = 	snop  }
0x26: {  	[tilespmem:s23], [sflag:$0x4] =	stream.linear.gather [hbm4b:s12+s4], $0x80, $0x38;
	[tilespmem:$0x18E00] =	vst v63  }
0x27: {  	_ = 	snop  }
0x28: {  	[tilespmem:s30], [sflag:$0x4] =	stream.linear.gather [hbm4b:s13+s4], $0x80, $0x38;
	[tilespmem:$0x18E00] =	vst v63  }
0x29: {  	_ =	swait.ge [sflag:s24], $0x2800  }
0x2a: {  	[sflag:s24] =	ssyncset.done $0x0  }
0x2b: {  	[sflag:s24] =	ssyncadd.s32 $0xFFFFD800  }
0x2c: {  	_ =	swait.ge [sflag:s25], $0x80  }
0x2d: {  	[sflag:s25] =	ssyncset.done $0x0  }
0x2e: {  	[sflag:s25] =	ssyncadd.s32 $0xFFFFFF80  }
0x2f: {  	_ =	swait.ge [sflag:s25], $0x80  }
0x30: {  	s8 =	simm.s32 $0x100;
	[sflag:s25] =	ssyncset.done $0x0  }
0x31: {  	s1 =	sand.u32 $0x7C00, s8;
	[sflag:s25] =	ssyncadd.s32 $0xFFFFFF80  }
0x32: {  	[tilespmem:s26], [sflag:$0x2] =	stream.indirect.gather [hbm4b:s2+s21], $0x80, s23, s21, $0xb8;
	[tilespmem:$0x18E00] =	vst v63  }
0x33: {  	s0 =	sand.u32 $0x300, s8;
	s1 =	sadd.s32 s7, s1  }
0x34: {  	[spmem:s3] =	stream.indirect.scatter.add.f32 [tilespmem:s22], [sflag:$0x5], $0x80, s20, s21, $0xb8;
	[tilespmem:$0x18E00] =	vst v63  }
0x35: {  	s0 =	sor.u32 s0, s1;
	_ =	swait.ge [sflag:s19], $0x2800  }
0x36: {  	s0 =	sshrl.u32 s0, $0x3;
	[sflag:s19] =	ssyncset.done $0x0  }
0x37: {  	s10 =	sadd.s32 s5, s0;
	[sflag:s19] =	ssyncadd.s32 $0xFFFFD800  }
0x38: {  	[tilespmem:s4], [sflag:$0x3] =	stream.linear.gather [hbm4b:s10+s4], $0x80, $0x38;
	[tilespmem:$0x18E00] =	vst v63  }
0x39: {  	s0 =	sadd.s32 s6, s0  }
0x3a: {  	[tilespmem:s20], [sflag:$0x3] =	stream.linear.gather [hbm4b:s0+s4], $0x80, $0x38;
	[tilespmem:$0x18E00] =	vst v63  }
0x3b: {  	_ =	swait.ge [sflag:s28], $0x2800  }
0x3c: {  	[sflag:s28] =	ssyncset.done $0x0  }
0x3d: {  	[sflag:s28] =	ssyncadd.s32 $0xFFFFD800  }
0x3e: {  	_ =	swait.ge [sflag:s29], $0x80  }
0x3f: {  	[sflag:s29] =	ssyncset.done $0x0  }
0x40: {  	[sflag:s29] =	ssyncadd.s32 $0xFFFFFF80  }
0x41: {  	_ =	swait.ge [sflag:s29], $0x80  }
0x42: {  	[sflag:s29] =	ssyncset.done $0x0  }
0x43: {  	s8 =	sand.u32 $0x7C00, s30;
	[sflag:s29] =	ssyncadd.s32 $0xFFFFFF80  }
0x44: {  	[tilespmem:s22], [sflag:$0x1] =	stream.indirect.gather [hbm4b:s2+s21], $0x80, s4, s21, $0xb8;
	[tilespmem:$0x18E00] =	vst v63  }
0x45: {  	s10 =	sand.u32 $0x380, s30;
	s0 =	sadd.s32 s7, s8  }
0x46: {  	[spmem:s3] =	stream.indirect.scatter.add.f32 [tilespmem:s26], [sflag:$0x5], $0x80, s30, s21, $0xb8;
	[tilespmem:$0x18E00] =	vst v63  }
0x47: {  	s0 =	sor.u32 s10, s0;
	_ =	swait.ge [sflag:s19], $0x2800  }
0x48: {  	s1 =	sshrl.u32 s0, $0x3;
	[sflag:s19] =	ssyncset.done $0x0  }
0x49: {  	s0 =	sadd.s32 s5, s1;
	[sflag:s19] =	ssyncadd.s32 $0xFFFFD800  }
0x4a: {  	[tilespmem:s23], [sflag:$0x4] =	stream.linear.gather [hbm4b:s0+s4], $0x80, $0x38;
	[tilespmem:$0x18E00] =	vst v63  }
0x4b: {  	s8 =	sadd.s32 s6, s1;
	s0 =	simm.s32 $0x280  }
.LBB2_2:
0x4c: {  	p0 =	sne.s32 s0, $0x3D80;
	s1 =	smov.u32 s0;
	s0 =	sadd.s32 $0x100, s0  }
0x4d: {  	[tilespmem:s30], [sflag:$0x4] =	stream.linear.gather [hbm4b:s8+s4], $0x80, $0x38;
	[tilespmem:$0x18E00] =	vst v63  }
0x4e: {  	_ =	swait.ge [sflag:s24], $0x2800  }
0x4f: {  	[sflag:s24] =	ssyncset.done $0x0  }
0x50: {  	[sflag:s24] =	ssyncadd.s32 $0xFFFFD800  }
0x51: {  	_ =	swait.ge [sflag:s25], $0x80  }
0x52: {  	[sflag:s25] =	ssyncset.done $0x0  }
0x53: {  	[sflag:s25] =	ssyncadd.s32 $0xFFFFFF80  }
0x54: {  	_ =	swait.ge [sflag:s25], $0x80  }
0x55: {  	[sflag:s25] =	ssyncset.done $0x0  }
0x56: {  	s8 =	sadd.s32 $0xFFFFFF80, s1;
	[sflag:s25] =	ssyncadd.s32 $0xFFFFFF80  }
0x57: {  	[tilespmem:s26], [sflag:$0x2] =	stream.indirect.gather [hbm4b:s2+s21], $0x80, s23, s21, $0xb8;
	[tilespmem:$0x18E00] =	vst v63  }
0x58: {  	s10 =	sand.u32 $0x7C00, s8;
	s8 =	sand.u32 $0x300, s8  }
0x59: {  	[spmem:s3] =	stream.indirect.scatter.add.f32 [tilespmem:s22], [sflag:$0x5], $0x80, s20, s21, $0xb8;
	[tilespmem:$0x18E00] =	vst v63  }
0x5a: {  	s10 =	sadd.s32 s7, s10;
	_ =	swait.ge [sflag:s19], $0x2800  }
0x5b: {  	s8 =	sor.u32 s8, s10;
	[sflag:s19] =	ssyncset.done $0x0  }
0x5c: {  	s8 =	sshrl.u32 s8, $0x3;
	[sflag:s19] =	ssyncadd.s32 $0xFFFFD800  }
0x5d: {  	s10 =	sadd.s32 s5, s8;
	s8 =	sadd.s32 s6, s8  }
0x5e: {  	[tilespmem:s4], [sflag:$0x3] =	stream.linear.gather [hbm4b:s10+s4], $0x80, $0x38;
	[tilespmem:$0x18E00] =	vst v63  }
0x5f: {  	_ = 	snop  }
0x60: {  	[tilespmem:s20], [sflag:$0x3] =	stream.linear.gather [hbm4b:s8+s4], $0x80, $0x38;
	[tilespmem:$0x18E00] =	vst v63  }
0x61: {  	_ =	swait.ge [sflag:s28], $0x2800  }
0x62: {  	[sflag:s28] =	ssyncset.done $0x0  }
0x63: {  	[sflag:s28] =	ssyncadd.s32 $0xFFFFD800  }
0x64: {  	_ =	swait.ge [sflag:s29], $0x80  }
0x65: {  	[sflag:s29] =	ssyncset.done $0x0  }
0x66: {  	[sflag:s29] =	ssyncadd.s32 $0xFFFFFF80  }
0x67: {  	_ =	swait.ge [sflag:s29], $0x80  }
0x68: {  	[sflag:s29] =	ssyncset.done $0x0  }
0x69: {  	s8 =	sand.u32 $0x7C00, s1;
	[sflag:s29] =	ssyncadd.s32 $0xFFFFFF80  }
0x6a: {  	[tilespmem:s22], [sflag:$0x1] =	stream.indirect.gather [hbm4b:s2+s21], $0x80, s4, s21, $0xb8;
	[tilespmem:$0x18E00] =	vst v63  }
0x6b: {  	s1 =	sand.u32 $0x380, s1;
	s8 =	sadd.s32 s7, s8  }
0x6c: {  	[spmem:s3] =	stream.indirect.scatter.add.f32 [tilespmem:s26], [sflag:$0x5], $0x80, s30, s21, $0xb8;
	[tilespmem:$0x18E00] =	vst v63  }
.Ltmp0:
0x6d: {  	_ = 	snop;
	(pc) =	sbr.rel @p0 .LBB2_2-.Ltmp0, $4  }
0x6e: {  	s1 =	sor.u32 s1, s8;
	_ =	swait.ge [sflag:s19], $0x2800  }
0x6f: {  	s1 =	sshrl.u32 s1, $0x3;
	[sflag:s19] =	ssyncset.done $0x0  }
0x70: {  	s10 =	sadd.s32 s5, s1;
	s8 =	sadd.s32 s6, s1;
	[sflag:s19] =	ssyncadd.s32 $0xFFFFD800  }
0x71: {  	[tilespmem:s23], [sflag:$0x4] =	stream.linear.gather [hbm4b:s10+s4], $0x80, $0x38;
	[tilespmem:$0x18E00] =	vst v63  }
0x72: {  	[tilespmem:s30], [sflag:$0x4] =	stream.linear.gather [hbm4b:s8+s4], $0x80, $0x38;
	[tilespmem:$0x18E00] =	vst v63  }
0x73: {  	_ =	swait.ge [sflag:s24], $0x2800  }
0x74: {  	[sflag:s24] =	ssyncset.done $0x0  }
0x75: {  	[sflag:s24] =	ssyncadd.s32 $0xFFFFD800  }
0x76: {  	_ =	swait.ge [sflag:s25], $0x80  }
0x77: {  	[sflag:s25] =	ssyncset.done $0x0  }
0x78: {  	[sflag:s25] =	ssyncadd.s32 $0xFFFFFF80  }
0x79: {  	_ =	swait.ge [sflag:s25], $0x80  }
0x7a: {  	[sflag:s25] =	ssyncset.done $0x0  }
0x7b: {  	[sflag:s25] =	ssyncadd.s32 $0xFFFFFF80  }
0x7c: {  	[tilespmem:s26], [sflag:$0x2] =	stream.indirect.gather [hbm4b:s2+s21], $0x80, s23, s21, $0xb8;
	[tilespmem:$0x18E00] =	vst v63  }
0x7d: {  	_ = 	snop  }
0x7e: {  	[spmem:s3] =	stream.indirect.scatter.add.f32 [tilespmem:s22], [sflag:$0x5], $0x80, s20, s21, $0xb8;
	[tilespmem:$0x18E00] =	vst v63  }
0x7f: {  	_ =	swait.ge [sflag:s19], $0x2800  }
0x80: {  	[sflag:s19] =	ssyncset.done $0x0  }
0x81: {  	[sflag:s19] =	ssyncadd.s32 $0xFFFFD800  }
0x82: {  	[tilespmem:s4], [sflag:$0x3] =	stream.linear.gather [hbm4b:s16+s4], $0x80, $0x38;
	[tilespmem:$0x18E00] =	vst v63  }
0x83: {  	_ = 	snop  }
0x84: {  	[tilespmem:s20], [sflag:$0x3] =	stream.linear.gather [hbm4b:s17+s4], $0x80, $0x38;
	[tilespmem:$0x18E00] =	vst v63  }
0x85: {  	_ =	swait.ge [sflag:s28], $0x2800  }
0x86: {  	[sflag:s28] =	ssyncset.done $0x0  }
0x87: {  	[sflag:s28] =	ssyncadd.s32 $0xFFFFD800  }
0x88: {  	_ =	swait.ge [sflag:s29], $0x80  }
0x89: {  	[sflag:s29] =	ssyncset.done $0x0  }
0x8a: {  	[sflag:s29] =	ssyncadd.s32 $0xFFFFFF80  }
0x8b: {  	_ =	swait.ge [sflag:s29], $0x80  }
0x8c: {  	[sflag:s29] =	ssyncset.done $0x0  }
0x8d: {  	[sflag:s29] =	ssyncadd.s32 $0xFFFFFF80  }
0x8e: {  	[tilespmem:s22], [sflag:$0x1] =	stream.indirect.gather [hbm4b:s2+s21], $0x80, s4, s21, $0xb8;
	[tilespmem:$0x18E00] =	vst v63  }
0x8f: {  	_ = 	snop  }
0x90: {  	[spmem:s3] =	stream.indirect.scatter.add.f32 [tilespmem:s26], [sflag:$0x5], $0x80, s30, s21, $0xb8;
	[tilespmem:$0x18E00] =	vst v63  }
0x91: {  	_ =	swait.ge [sflag:s19], $0x2800  }
0x92: {  	[sflag:s19] =	ssyncset.done $0x0  }
0x93: {  	[sflag:s19] =	ssyncadd.s32 $0xFFFFD800  }
0x94: {  	_ =	swait.ge [sflag:s24], $0x2800  }
0x95: {  	[sflag:s24] =	ssyncset.done $0x0  }
0x96: {  	[sflag:s24] =	ssyncadd.s32 $0xFFFFD800  }
0x97: {  	[spmem:s3] =	stream.indirect.scatter.add.f32 [tilespmem:s22], [sflag:$0x5], $0x80, s20, s21, $0xb8;
	[tilespmem:$0x18E00] =	vst v63  }
0x98: {  	_ =	swait.ge [sflag:s19], $0x2800  }
0x99: {  	s31 =	sadd.s32 $0x1, s31;
	[sflag:s19] =	ssyncset.done $0x0  }
0x9a: {  	p0 =	sne.s32 s31, s15;
	[sflag:s19] =	ssyncadd.s32 $0xFFFFD800  }
.Ltmp1:
0x9b: {  	[bflag:$0x0] =	sbarrier.arrive $0xFFFF;
	(pc) =	sbr.rel @p0 .LBB2_1-.Ltmp1, $4  }
0x9c: {  	[hbm:s14], [sflag:s9] =	dma.local [spmem:s18], $0x2780  }
0x9d: {  	_ =	swait.ge [sflag:s19], $0x2780  }
0x9e: {  	[sflag:s19] =	ssyncset.done $0x0  }
0x9f: {  	[sflag:s19] =	ssyncadd.s32 $0xFFFFD880  }
0xa0: {  	_ =	sfence.sel $0x180000  }
0xa1: {  	[bflag:$0x0] =	sbarrier.arrive $0xFFFF  }
0xa2: {  	_ =	strace $0x9000004D  }
0xa3: {  	s0 =	stileid.u32;
	[bflag:$0x2] =	sbarrier.arrive $0xFFFF  }
0xa4: {  	p0 =	sne.s32 s0, $0x0;
	s0 =	rddreg [dreg:$0x3]  }
0xa5: {  	s0 =	sadd.s32 @!p0 $0x100000, s0  }
0xa6: {  	[sflag:s0] =	ssyncadd.tile.s32 @!p0 $0x1;
	_ =	shalt  }
.Lfunc_end2:
_tile_overlayer_lowered:
.L_overlay_start_2:
0xa7: {  	(tag) =	ssettag $0x2  }
0xa8: {  	s0 =	rddreg [dreg:$0x0];
	s2 =	stileid.u32  }
0xa9: {  	s1 =	rddreg [dreg:$0x1];
	p0 =	sne.s32 s2, $0x0  }
0xaa: {  	s3 =	rddreg [dreg:$0x2];
	[bflag:$0x3] =	sbarrier.arrive $0xFFFF;
	s2 =	simm.s32 @!p0 $0x1C05  }
0xab: {  	[timem:s3], [sflag:s2] =	dma.local @!p0 [hbm:s0], s1  }
0xac: {  	s0 =	simm.s32 @!p0 $0x5  }
0xad: {  	_ =	swait.ge @!p0 [sflag:s0], s1  }
0xae: {  	s1 =	ssub.s32 @!p0 $0x0, s1;
	[sflag:s0] =	ssyncset.done @!p0 $0x0  }
0xaf: {  	[sflag:s0] =	ssyncadd.s32 @!p0 s1  }
0xb0: {  	[bflag:$0x3] =	sbarrier.arrive $0xFFFF  }
0xb1: {  	_ =	shalt  }

// kernel: kernel.8.cloned.1.call-start
scs
__scs_entry_jumppad:
0x0: {  	(pc) =	sbr.rel $0x88, $3  }
0x1: {  	(tag) =	ssettag $0x0;
	lr =	simm.s32 $0x1  }
0x2: {  	[smem:$0x3F9B] =	sst lr;
	_ =	strace $0xD0000000  }
0x3: {  	_ = 	snop  }
0x4: {  	_ = 	snop  }
0x5: {  	_ = 	snop  }
0x6: {  	_ = 	snop  }
0x7: {  	_ = 	snop  }
__scs_overlays_trampoline_lowered:
0x8: {  	[smem:$0x3FAA] =	sst s0  }
0x9: {  	[smem:$0x3FAB] =	sst s1  }
0xa: {  	[smem:$0x3FAC] =	sst s2  }
0xb: {  	[smem:$0x3FAD] =	sst s3  }
0xc: {  	[smem:$0x3FAE] =	sst s4  }
0xd: {  	[smem:$0x3FAF] =	sst s5  }
0xe: {  	[smem:$0x3FB0] =	sst s6  }
0xf: {  	[smem:$0x3FB1] =	sst s7  }
0x10: {  	[smem:$0x3FB2] =	sst s8  }
0x11: {  	[smem:$0x3FB3] =	sst s9;
	s0 =	simm.s32 @!p0 $0x0  }
0x12: {  	s1 =	sld [smem:$0x3F99];
	s0 =	simm.s32 @p0 $0x1  }
0x13: {  	[smem:$0x3FB4] =	sst s0;
	s0 =	simm.s32 @!p1 $0x0  }
0x14: {  	s2 =	sld [smem:$0x3F98];
	s0 =	simm.s32 @p1 $0x1  }
0x15: {  	[smem:$0x3FB5] =	sst s0;
	s0 =	simm.s32 @!p2 $0x0  }
0x16: {  	s3 =	sld [smem:$0x3FDB];
	s0 =	simm.s32 @p2 $0x1  }
0x17: {  	s4 =	simm.s32 $0x1BF5;
	[smem:$0x3FB7] =	sst s0  }
0x18: {  	s0 =	sld [smem:$0x3F9A];
	_ =	swait.ge [sflag:s4], $0x0  }
0x19: {  	s7 =	sld [smem:$0x3F9B]  }
0x1a: {  	s8 =	sadd.s32 $0xFFFFE003, lr  }
0x1b: {  	s9 =	sadd.s32 $0xFFFFFEF7, lr;
	s5 =	simm.s32 $0xFFFFFFFF;
	p2 =	slt.u32 s8, $0xFFFFF086  }
0x1c: {  	p1 =	slt.u32 s9, $0xF7A;
	s5 =	simm.s32 @!p2 $0x0  }
0x1d: {  	s5 =	simm.s32 @p1 $0x1;
	p0 =	seq.s32 s7, s2  }
0x1e: {  	s7 =	smul.u32 @!p0 $0xF7A, s2;
	p2 =	seq.s32 @!p0 s5, $0x0  }
0x1f: {  	s9 =	smul.u32 $0xF7A, s1;
	s8 =	simm.s32 @!p0 $0x1BF5;
	p2 =	por !p2, p0  }
0x20: {  	[sflag:s8] =	ssyncset.s32 @!p0 $0xFFFFF086;
	s6 =	sadd.s32 @!p0 s3, s7;
	s7 =	simm.s32 @!p0 $0x108  }
0x21: {  	s3 =	sadd.s32 s3, s9;
	s6 =	sadd.s32 @!p0 $0x88, s6;
	s7 =	simm.s32 @p2 $0x1082  }
0x22: {  	[simem:s7], [sflag:s8] =	dma.local @!p0 [hbm:s6], $0xF7A  }
0x23: {  	s9 =	sor.u32 $0xD0000000, s2;
	s6 =	simm.s32 $0x108;
	_ =	swait.ge @!p0 [sflag:s8], $0x0  }
0x24: {  	s3 =	sadd.s32 $0x88, s3;
	s6 =	simm.s32 @!p1 $0x1082;
	[sflag:s4] =	ssyncset.s32 $0xFFFFF086  }
0x25: {  	[simem:s6], [sflag:s4] =	dma.local [hbm:s3], $0xF7A  }
0x26: {  	[smem:$0x3F9B] =	sst s1;
	(tag) =	ssettag s2;
	_ =	strace s9  }
0x27: {  	s1 =	sld [smem:$0x3FAB]  }
0x28: {  	s2 =	sld [smem:$0x3FAC]  }
0x29: {  	s4 =	sld [smem:$0x3FAE]  }
0x2a: {  	p0 =	seq.s32 s5, $0x0;
	s5 =	sld [smem:$0x3FAF]  }
0x2b: {  	s6 =	sld [smem:$0x3FB0]  }
0x2c: {  	s7 =	sld [smem:$0x3FB1]  }
0x2d: {  	s3 =	simm.s32 $0x108;
	s8 =	sld [smem:$0x3FB2]  }
0x2e: {  	s3 =	simm.s32 @!p0 $0x1082;
	s9 =	sld [smem:$0x3FB3]  }
0x2f: {  	lr =	sadd.s32 s0, s3;
	s0 =	sld [smem:$0x3FAA]  }
0x30: {  	s3 =	sld [smem:$0x3FAD]  }
0x31: {  	[smem:$0x3FB6] =	sst s10  }
0x32: {  	s10 =	sld [smem:$0x3FB4];
	_ =	sdelay $0x3  }
0x33: {  	p0 =	seq.s32 s10, $0x1;
	s10 =	sld [smem:$0x3FB6];
	_ =	sdelay $0x3  }
0x34: {  	[smem:$0x3FB6] =	sst s10  }
0x35: {  	s10 =	sld [smem:$0x3FB5];
	_ =	sdelay $0x3  }
0x36: {  	p1 =	seq.s32 s10, $0x1;
	s10 =	sld [smem:$0x3FB6];
	_ =	sdelay $0x3  }
0x37: {  	[smem:$0x3FB6] =	sst s10  }
0x38: {  	s10 =	sld [smem:$0x3FB7]  }
0x39: {  	_ = 	snop;
	(pc) =	sbr.ind lr, $3  }
0x3a: {  	_ = 	snop  }
0x3b: {  	_ = 	snop  }
0x3c: {  	p2 =	seq.s32 s10, $0x1;
	s10 =	sld [smem:$0x3FB6]  }
0x3d: {  	_ =	shalt  }
0x3e: {  	_ =	shalt  }
0x3f: {  	_ =	shalt  }
0x40: {  	_ =	shalt  }
0x41: {  	_ =	shalt  }
0x42: {  	_ =	shalt  }
0x43: {  	_ =	shalt  }
0x44: {  	_ =	shalt  }
0x45: {  	_ =	shalt  }
0x46: {  	_ =	shalt  }
0x47: {  	_ =	shalt  }
0x48: {  	_ =	shalt  }
0x49: {  	_ =	shalt  }
0x4a: {  	_ =	shalt  }
0x4b: {  	_ =	shalt  }
0x4c: {  	_ =	shalt  }
0x4d: {  	_ =	shalt  }
0x4e: {  	_ =	shalt  }
0x4f: {  	_ =	shalt  }
0x50: {  	_ =	shalt  }
0x51: {  	_ =	shalt  }
0x52: {  	_ =	shalt  }
0x53: {  	_ =	shalt  }
0x54: {  	_ =	shalt  }
0x55: {  	_ =	shalt  }
0x56: {  	_ =	shalt  }
0x57: {  	_ =	shalt  }
0x58: {  	_ =	shalt  }
0x59: {  	_ =	shalt  }
0x5a: {  	_ =	shalt  }
0x5b: {  	_ =	shalt  }
0x5c: {  	_ =	shalt  }
0x5d: {  	_ =	shalt  }
0x5e: {  	_ =	shalt  }
0x5f: {  	_ =	shalt  }
0x60: {  	_ =	shalt  }
0x61: {  	_ =	shalt  }
0x62: {  	_ =	shalt  }
0x63: {  	_ =	shalt  }
0x64: {  	_ =	shalt  }
0x65: {  	_ =	shalt  }
0x66: {  	_ =	shalt  }
0x67: {  	_ =	shalt  }
0x68: {  	_ =	shalt  }
0x69: {  	_ =	shalt  }
0x6a: {  	_ =	shalt  }
0x6b: {  	_ =	shalt  }
0x6c: {  	_ =	shalt  }
0x6d: {  	_ =	shalt  }
0x6e: {  	_ =	shalt  }
0x6f: {  	_ =	shalt  }
0x70: {  	_ =	shalt  }
0x71: {  	_ =	shalt  }
0x72: {  	_ =	shalt  }
0x73: {  	_ =	shalt  }
0x74: {  	_ =	shalt  }
0x75: {  	_ =	shalt  }
0x76: {  	_ =	shalt  }
0x77: {  	_ =	shalt  }
0x78: {  	_ =	shalt  }
0x79: {  	_ =	shalt  }
0x7a: {  	_ =	shalt  }
0x7b: {  	_ =	shalt  }
0x7c: {  	_ =	shalt  }
0x7d: {  	_ =	shalt  }
0x7e: {  	_ =	shalt  }
0x7f: {  	_ =	shalt  }
0x80: {  	_ =	shalt  }
0x81: {  	_ =	shalt  }
0x82: {  	_ =	shalt  }
0x83: {  	_ =	shalt  }
0x84: {  	_ =	shalt  }
0x85: {  	_ =	shalt  }
0x86: {  	_ =	shalt  }
0x87: {  	_ =	shalt  }
.Lfunc_end0:
.L_simem_size_0:
called_computation_lowered:
.L_overlay_start_0:
0x88: {  	s2 =	sld [smem:$0x3FD9]  }
0x89: {  	s3 =	sld [smem:$0x3FFE];
	_ =	sdelay $0x1  }
0x8a: {  	s1 =	srdreg.scid  }
0x8b: {  	s0 =	sand.u32 $0x1, s1  }
0x8c: {  	s16 =	sshll.u32 s0, $0xA;
	s2 =	sadd.s32 s3, s2  }
0x8d: {  	s2 =	sadd.s32 s2, s16  }
0x8e: {  	[smem:$0x3FC2] =	sst s2  }
0x8f: {  	_ = 	snop  }
0x90: {  	(tm) =	ssettm $0x1  }
0x91: {  	s17 =	sld [smem:$0x3FFB];
	_ =	sdelay $0x3  }
0x92: {  	_ =	strace s17  }
0x93: {  	s2 =	sld [smem:$0x3FFC];
	_ =	sdelay $0x3  }
0x94: {  	_ =	strace s2  }
0x95: {  	s2 =	sld [smem:$0x3FFD];
	_ =	sdelay $0x3  }
0x96: {  	_ =	strace s2  }
0x97: {  	_ =	strace $0x8FFFFFFF  }
0x98: {  	s18 =	sld [smem:$0x3FDB];
	_ =	sdelay $0x1  }
0x99: {  	s19 =	simm.s32 $_scs_section_size  }
0x9a: {  	s4 =	simm.s32 $_size__tile_overlayer_lowered;
	s5 =	simm.s32 $_tile_overlayer_lowered  }
0x9b: {  	s22 =	simm.s32 $0x1BFF;
	s21 =	sshll.u32 s5, $0x1;
	s2 =	sadd.s32 s19, s18  }
0x9c: {  	s6 =	simm.s32 $0x0;
	s20 =	sshll.u32 s4, $0x1;
	s4 =	sadd.s32 s21, s2  }
0x9d: {  	[timem:s6], [sflag:s22] =	dma.local [hbm:s4], s20  }
0x9e: {  	_ =	swait.ge [sflag:s22], s20  }
0x9f: {  	s3 =	ssub.s32 $0x0, s20;
	[sflag:s22] =	ssyncset.done $0x0  }
0xa0: {  	[sflag:s22] =	ssyncadd.s32 s3;
	_ =	sdelay $0x1  }
0xa1: {  	s23 =	simm.s32 $0x1B8B  }
0xa2: {  	_ =	swait.ge [sflag:s23], $0x1  }
0xa3: {  	[sflag:s23] =	ssyncset.done $0x0  }
0xa4: {  	s25 =	simm.s32 $0x1B8E;
	s24 =	sld [smem:$0x3FFE];
	[sflag:s23] =	ssyncadd.s32 $0xFFFFFFFF  }
0xa5: {  	s26 =	simm.s32 $execute0_lowered;
	[smem:$0x3FD2] =	sst s25  }
0xa6: {  	s4 =	sshll.u32 s26, $0x1;
	_ =	strace $0x80000046;
	[dreg:$0x1] =	wrdreg $0xFFFFFFFF  }
0xa7: {  	s28 =	simm.s32 $_size_execute0_lowered;
	s2 =	sadd.s32 s2, s4;
	[dreg:$0x0] =	wrdreg $0x0  }
0xa8: {  	s4 =	sshll.u32 s28, $0x1;
	[dreg:$0x2] =	wrdreg s2  }
0xa9: {  	[dreg:$0x3] =	wrdreg s4  }
0xaa: {  	[dreg:$0x4] =	wrdreg $0xC0  }
0xab: {  	_ =	task [dreg:s6], $0x5FFFF  }
0xac: {  	[dreg:$0x1] =	wrdreg $0xFFFFFFFF  }
0xad: {  	[dreg:$0x0] =	wrdreg $0x60  }
0xae: {  	[dreg:$0x2] =	wrdreg s24  }
0xaf: {  	[dreg:$0x3] =	wrdreg $0x29000  }
0xb0: {  	[dreg:$0x4] =	wrdreg $0x9  }
0xb1: {  	_ =	task.clear_ibuf [dreg:s6], $0x5FFFF;
	_ =	strace $0x90000046  }
0xb2: {  	s29 =	simm.s32 $0x9;
	_ =	strace $0x80000048  }
0xb3: {  	_ =	swait.ge [sflag:s29], $0x1  }
0xb4: {  	[sflag:s29] =	ssyncadd.s32 $0xFFFFFFFF  }
0xb5: {  	_ =	strace $0x90000048  }
0xb6: {  	_ =	sfence  }
0xb7: {  	s30 =	sld [smem:$0x0];
	_ =	sdelay $0x2  }
0xb8: {  	s31 =	sshll.u32 s1, $0xD;
	s1 =	sshrl.u32 s1, $0x2  }
0xb9: {  	s3 =	sand.u32 $0x4000, s31;
	s1 =	sadd.s32 s1, s30  }
0xba: {  	s0 =	sor.u32 s3, s0;
	s1 =	sshll.u32 s1, $0x11  }
0xbb: {  	s0 =	sor.u32 s1, s0  }
0xbc: {  	s0 =	sadd.s32 $0x8F2B, s0  }
0xbd: {  	[sflag:s0] =	ssyncadd.remote.s32 $0x1  }
0xbe: {  	_ =	sfence.sel $0xFFFF  }
0xbf: {  	[dreg:$0x0] =	wrdreg $0xFFFFFFFF;
	(pc) =	sbr.abs _section_cstart, $3  }
0xc0: {  	[dreg:$0x1] =	wrdreg $0xFFFFFFFF  }
0xc1: {  	_ =	task.clear_ibuf [dreg:s6], $0x2FFFF;
	_ =	strace $0x9FFFFFFF  }
0xc2: {  	(tm) =	ssettm $0x7FFFFFFF  }
0xc3: {  	_ =	shalt  }
tec
execute0_lowered:
.L_overlay_start_1:
0x0: {  	(tag) =	ssettag $0x1  }
0x1: {  	s5 =	rddreg [dreg:$0x0];
	s0 =	stileid.u32  }
0x2: {  	s1 =	srdreg.scid;
	s2 =	rddreg [dreg:$0x1]  }
0x3: {  	s3 =	simm.s32 $0x0;
	s14 =	simm.s32 $0x3;
	s15 =	simm.s32 $0x80  }
0x4: {  	s16 =	simm.s32 $0x50;
	s17 =	simm.s32 $0x100;
	s18 =	simm.s32 $0x2  }
0x5: {  	s19 =	simm.s32 $0x1;
	s20 =	simm.s32 $0x0;
	s4 =	smul.u32 $0x13C00, s0  }
0x6: {  	s6 =	sand.u32 $0x1, s1;
	s1 =	rddreg [dreg:$0x2];
	s29 =	smul.u32 $0x4F000, s0  }
0x7: {  	[smem:$0x7FF] =	sst s3;
	s11 =	sshll.u32 s0, $0xF;
	s7 =	smul.u32 $0x13C000, s6  }
0x8: {  	s30 =	sshll.u32 s0, $0x6;
	_ =	strace $0x80000047;
	s28 =	ssub.s32 $0x2, s6  }
0x9: {  	s6 =	sshll.u32 s6, $0xE;
	s8 =	sshrl.u32 s4, $0x3;
	s7 =	sadd.s32 s4, s7  }
0xa: {  	s9 =	sshrl.u32 s28, $0x1;
	s4 =	sadd.s32 $0x2000, s5;
	s7 =	sshrl.u32 s7, $0x3  }
0xb: {  	s8 =	sadd.s32 s8, s5;
	s12 =	ssub.s32 s28, s9;
	s10 =	sadd.s32 s7, s5  }
0xc: {  	s7 =	sshrl.u32 s29, $0x2;
	s5 =	sor.u32 s6, s11;
	s6 =	sadd.s32 $0x12000, s8  }
0xd: {  	s11 =	smax.u32 s12, $0x1;
	s13 =	sadd.s32 s7, s2;
	s31 =	sshrl.u32 s5, $0x3  }
0xe: {  	s7 =	sor.u32 $0x1C03, s30;
	s10 =	sadd.s32 $0x39800, s10;
	s8 =	sadd.s32 s4, s31  }
0xf: {  	v0 =	vimm.f32 $1.000000000e+00;
	s13 =	sshrl.u32 s13, $0x3;
	s9 =	sadd.s32 $0x10, s8;
	s12 =	sadd.s32 $0x7C0, s8  }
.LBB2_1:
0x10: {  	[spmem:s13], [sflag:s7] =	dma.local [hbm:s6], $0x2780  }
0x11: {  	_ =	swait.ge [sflag:s14], $0x2780  }
0x12: {  	[sflag:s14] =	ssyncset.done $0x0  }
0x13: {  	s21 =	simm.s32 $0x200;
	s22 =	simm.s32 $0x0;
	[sflag:s14] =	ssyncadd.s32 $0xFFFFD880  }
.LBB2_2:
0x14: {  	p0 =	sne.s32 s21, $0x9E00;
	[tilespmem:s22+$0x100] =	vst v0;
	s22 =	smov.u32 s21;
	s21 =	sadd.s32 $0x200, s21  }
.Ltmp0:
0x15: {  	(pc) =	sbr.rel @p0 .LBB2_2-.Ltmp0, $2  }
0x16: {  	_ =	sdelay $0x2  }
0x17: {  	s22 =	sshra.s32 s22, $0x2  }
0x18: {  	[tilespmem:s22+$0x100] =	vst v0  }
0x19: {  	[tilespmem:s3], [sflag:$0x3] =	stream.linear.gather [hbm4b:s8+s3], $0x80, $0x38;
	[tilespmem:$0x5080] =	vst v63  }
0x1a: {  	_ =	swait.ge [sflag:s14], $0x80  }
0x1b: {  	[sflag:s14] =	ssyncset.done $0x0  }
0x1c: {  	[sflag:s14] =	ssyncadd.s32 $0xFFFFFF80  }
0x1d: {  	[bflag:$0x0] =	sbarrier.arrive $0xFFFF  }
0x1e: {  	[tilespmem:s15], [sflag:$0x2] =	stream.linear.gather [hbm4b:s9+s3], $0x80, $0x38;
	[tilespmem:$0x5080] =	vst v63  }
0x1f: {  	_ = 	snop  }
0x20: {  	[spmem:s2] =	stream.indirect.scatter.add.f32 [tilespmem:s17], [sflag:$0x3], $0x10, s3, s16, $0xb8;
	[tilespmem:$0x5080] =	vst v63  }
0x21: {  	s21 =	simm.s32 $0x100;
	_ =	swait.ge [sflag:s14], $0x500  }
0x22: {  	s29 =	sand.u32 $0x7C00, s21;
	[sflag:s14] =	ssyncset.done $0x0  }
0x23: {  	s21 =	sand.u32 $0x300, s21;
	s22 =	sadd.s32 s5, s29;
	[sflag:s14] =	ssyncadd.s32 $0xFFFFFB00  }
0x24: {  	s21 =	sor.u32 s21, s22;
	_ =	swait.ge [sflag:s18], $0x80  }
0x25: {  	s21 =	sshrl.u32 s21, $0x3;
	[sflag:s18] =	ssyncset.done $0x0  }
0x26: {  	s21 =	sadd.s32 s4, s21;
	[sflag:s18] =	ssyncadd.s32 $0xFFFFFF80  }
0x27: {  	[tilespmem:s3], [sflag:$0x1] =	stream.linear.gather [hbm4b:s21+s3], $0x80, $0x38;
	[tilespmem:$0x5080] =	vst v63  }
0x28: {  	_ = 	snop  }
0x29: {  	[spmem:s2] =	stream.indirect.scatter.add.f32 [tilespmem:s17], [sflag:$0x3], $0x10, s15, s16, $0xb8;
	[tilespmem:$0x5080] =	vst v63  }
0x2a: {  	s30 =	simm.s32 $0x180;
	_ =	swait.ge [sflag:s14], $0x500  }
0x2b: {  	s31 =	sand.u32 $0x7C00, s30;
	[sflag:s14] =	ssyncset.done $0x0  }
0x2c: {  	s22 =	sadd.s32 s5, s31;
	s21 =	sand.u32 $0x380, s30;
	[sflag:s14] =	ssyncadd.s32 $0xFFFFFB00  }
0x2d: {  	s21 =	sor.u32 s21, s22;
	_ =	swait.ge [sflag:s19], $0x80  }
0x2e: {  	s22 =	sshrl.u32 s21, $0x3;
	[sflag:s19] =	ssyncset.done $0x0  }
0x2f: {  	s21 =	simm.s32 $0x280;
	s22 =	sadd.s32 s4, s22;
	[sflag:s19] =	ssyncadd.s32 $0xFFFFFF80  }
.LBB2_4:
0x30: {  	[tilespmem:s15], [sflag:$0x2] =	stream.linear.gather [hbm4b:s22+s3], $0x80, $0x38;
	[tilespmem:$0x5080] =	vst v63  }
0x31: {  	p0 =	sne.s32 s21, $0x3D80;
	s22 =	smov.u32 s21;
	s21 =	sadd.s32 $0x100, s21  }
0x32: {  	[spmem:s2] =	stream.indirect.scatter.add.f32 [tilespmem:s17], [sflag:$0x3], $0x10, s3, s16, $0xb8;
	[tilespmem:$0x5080] =	vst v63  }
0x33: {  	s23 =	sadd.s32 $0xFFFFFF80, s22;
	_ =	swait.ge [sflag:s14], $0x500  }
0x34: {  	s24 =	sand.u32 $0x7C00, s23;
	[sflag:s14] =	ssyncset.done $0x0  }
0x35: {  	s23 =	sand.u32 $0x300, s23;
	s24 =	sadd.s32 s5, s24;
	[sflag:s14] =	ssyncadd.s32 $0xFFFFFB00  }
0x36: {  	s23 =	sor.u32 s23, s24;
	_ =	swait.ge [sflag:s18], $0x80  }
0x37: {  	s23 =	sshrl.u32 s23, $0x3;
	[sflag:s18] =	ssyncset.done $0x0  }
0x38: {  	s23 =	sadd.s32 s4, s23;
	[sflag:s18] =	ssyncadd.s32 $0xFFFFFF80  }
0x39: {  	[tilespmem:s3], [sflag:$0x1] =	stream.linear.gather [hbm4b:s23+s3], $0x80, $0x38;
	[tilespmem:$0x5080] =	vst v63  }
0x3a: {  	_ = 	snop  }
0x3b: {  	[spmem:s2] =	stream.indirect.scatter.add.f32 [tilespmem:s17], [sflag:$0x3], $0x10, s15, s16, $0xb8;
	[tilespmem:$0x5080] =	vst v63  }
0x3c: {  	_ =	swait.ge [sflag:s14], $0x500  }
.Ltmp1:
0x3d: {  	s23 =	sand.u32 $0x7C00, s22;
	[sflag:s14] =	ssyncset.done $0x0;
	(pc) =	sbr.rel @p0 .LBB2_4-.Ltmp1, $4  }
0x3e: {  	s22 =	sand.u32 $0x380, s22;
	s23 =	sadd.s32 s5, s23;
	[sflag:s14] =	ssyncadd.s32 $0xFFFFFB00  }
0x3f: {  	s22 =	sor.u32 s22, s23;
	_ =	swait.ge [sflag:s19], $0x80  }
0x40: {  	s22 =	sshrl.u32 s22, $0x3;
	[sflag:s19] =	ssyncset.done $0x0  }
0x41: {  	s22 =	sadd.s32 s4, s22;
	[sflag:s19] =	ssyncadd.s32 $0xFFFFFF80  }
0x42: {  	[tilespmem:s15], [sflag:$0x2] =	stream.linear.gather [hbm4b:s22+s3], $0x80, $0x38;
	[tilespmem:$0x5080] =	vst v63  }
0x43: {  	_ = 	snop  }
0x44: {  	[spmem:s2] =	stream.indirect.scatter.add.f32 [tilespmem:s17], [sflag:$0x3], $0x10, s3, s16, $0xb8;
	[tilespmem:$0x5080] =	vst v63  }
0x45: {  	_ =	swait.ge [sflag:s14], $0x500  }
0x46: {  	[sflag:s14] =	ssyncset.done $0x0  }
0x47: {  	[sflag:s14] =	ssyncadd.s32 $0xFFFFFB00  }
0x48: {  	_ =	swait.ge [sflag:s18], $0x80  }
0x49: {  	[sflag:s18] =	ssyncset.done $0x0  }
0x4a: {  	[sflag:s18] =	ssyncadd.s32 $0xFFFFFF80  }
0x4b: {  	[tilespmem:s3], [sflag:$0x1] =	stream.linear.gather [hbm4b:s12+s3], $0x80, $0x38;
	[tilespmem:$0x5080] =	vst v63  }
0x4c: {  	_ = 	snop  }
0x4d: {  	[spmem:s2] =	stream.indirect.scatter.add.f32 [tilespmem:s17], [sflag:$0x3], $0x10, s15, s16, $0xb8;
	[tilespmem:$0x5080] =	vst v63  }
0x4e: {  	_ =	swait.ge [sflag:s14], $0x500  }
0x4f: {  	[sflag:s14] =	ssyncset.done $0x0  }
0x50: {  	[sflag:s14] =	ssyncadd.s32 $0xFFFFFB00  }
0x51: {  	_ =	swait.ge [sflag:s19], $0x80  }
0x52: {  	[sflag:s19] =	ssyncset.done $0x0  }
0x53: {  	[sflag:s19] =	ssyncadd.s32 $0xFFFFFF80  }
0x54: {  	[spmem:s2] =	stream.indirect.scatter.add.f32 [tilespmem:s17], [sflag:$0x3], $0x10, s3, s16, $0xb8;
	[tilespmem:$0x5080] =	vst v63  }
0x55: {  	_ =	swait.ge [sflag:s14], $0x500  }
0x56: {  	s20 =	sadd.s32 $0x1, s20;
	[sflag:s14] =	ssyncset.done $0x0  }
0x57: {  	p0 =	sne.s32 s20, s11;
	[sflag:s14] =	ssyncadd.s32 $0xFFFFFB00  }
.Ltmp2:
0x58: {  	[bflag:$0x0] =	sbarrier.arrive $0xFFFF;
	(pc) =	sbr.rel @p0 .LBB2_1-.Ltmp2, $4  }
0x59: {  	[hbm:s10], [sflag:s7] =	dma.local [spmem:s13], $0x2780  }
0x5a: {  	_ =	swait.ge [sflag:s14], $0x2780  }
0x5b: {  	[sflag:s14] =	ssyncset.done $0x0  }
0x5c: {  	[sflag:s14] =	ssyncadd.s32 $0xFFFFD880  }
0x5d: {  	_ =	sfence.sel $0x180000  }
0x5e: {  	[bflag:$0x0] =	sbarrier.arrive $0xFFFF  }
0x5f: {  	p0 =	sne.s32 s0, $0x0;
	_ =	strace $0x90000047  }
0x60: {  	s0 =	sadd.s32 @!p0 $0x100000, s1;
	[bflag:$0x2] =	sbarrier.arrive $0xFFFF  }
0x61: {  	[sflag:s0] =	ssyncadd.tile.s32 @!p0 $0x1;
	_ =	shalt  }
.Lfunc_end2:
_tile_overlayer_lowered:
.L_overlay_start_2:
0x62: {  	(tag) =	ssettag $0x2  }
0x63: {  	s0 =	rddreg [dreg:$0x0];
	s2 =	stileid.u32  }
0x64: {  	s1 =	rddreg [dreg:$0x1];
	p0 =	sne.s32 s2, $0x0  }
0x65: {  	s3 =	rddreg [dreg:$0x2];
	[bflag:$0x3] =	sbarrier.arrive $0xFFFF;
	s2 =	simm.s32 @!p0 $0x1C03  }
0x66: {  	[timem:s3], [sflag:s2] =	dma.local @!p0 [hbm:s0], s1  }
0x67: {  	s0 =	simm.s32 @!p0 $0x3  }
0x68: {  	_ =	swait.ge @!p0 [sflag:s0], s1  }
0x69: {  	s1 =	ssub.s32 @!p0 $0x0, s1;
	[sflag:s0] =	ssyncset.done @!p0 $0x0  }
0x6a: {  	[sflag:s0] =	ssyncadd.s32 @!p0 s1  }
0x6b: {  	[bflag:$0x3] =	sbarrier.arrive $0xFFFF  }
0x6c: {  	_ =	shalt  }

</sc_bundles>
